<compile_context>
chip_gen: v7x
topology: tpu7x:2x2x1
jax: 0.10.2.dev20260603
libtpu: 0.0.44.dev20260713+nightly
codegen_flags: <defaults>
</compile_context>

<pallas_src>
import functools

import jax
import jax.numpy as jnp
from jax import lax
from jax.experimental import pallas as pl
from jax.experimental.pallas import tpu as pltpu
from jax.experimental.pallas import tpu_sc as plsc

_NUM_CORES = 2
_NUM_SUBCORES = 16
_NUM_WORKERS = _NUM_CORES * _NUM_SUBCORES

_DPAD = 128
_CHUNK = 64
_BL = 2
_SPLITS = (30, 20)


def _gather_body(table_hbm, ids_hbm, x_hbm, table_sh, idx_v, rows_a, rows_b, gsa, gsb, ssa, ssb):
    sid = lax.axis_index("s")
    wid = sid * _NUM_CORES + lax.axis_index("c")
    n = ids_hbm.shape[0]
    n_per_w = n // _NUM_WORKERS
    base = pl.multiple_of(wid * n_per_w, 8)

    @pl.when(sid == 0)
    def _():
        pltpu.sync_copy(table_hbm, table_sh)

    pltpu.sync_copy(ids_hbm.at[pl.ds(base, n_per_w)], idx_v)
    plsc.subcore_barrier()

    nch = n_per_w // _CHUNK
    nph = nch // 2

    def g_start(c, buf, sem):
        off = pl.multiple_of(c * _CHUNK, 8)
        pltpu.async_copy(table_sh.at[idx_v.at[pl.ds(off, _CHUNK)]], buf, sem)

    def g_wait(buf, sem):
        pltpu.make_async_copy(table_hbm.at[pl.ds(0, _CHUNK)], buf, sem).wait()

    def s_start(c, buf, sem):
        off = pl.multiple_of(base + c * _CHUNK, 8)
        pltpu.async_copy(buf, x_hbm.at[pl.ds(off, _CHUNK)], sem)

    def s_wait(buf, sem):
        pltpu.make_async_copy(buf, x_hbm.at[pl.ds(base, _CHUNK)], sem).wait()

    g_start(0, rows_a, gsa)
    g_wait(rows_a, gsa)
    s_start(0, rows_a, ssa)
    g_start(1, rows_b, gsb)
    g_wait(rows_b, gsb)
    s_start(1, rows_b, ssb)
    s_wait(rows_a, ssa)
    g_start(2, rows_a, gsa)

    def pair_step(i, carry):
        c0 = i * 2
        g_wait(rows_a, gsa)
        s_start(c0, rows_a, ssa)
        s_wait(rows_b, ssb)
        g_start(c0 + 1, rows_b, gsb)
        g_wait(rows_b, gsb)
        s_start(c0 + 1, rows_b, ssb)
        s_wait(rows_a, ssa)
        g_start(c0 + 2, rows_a, gsa)
        return carry

    lax.fori_loop(1, nph - 1, pair_step, 0)

    c0 = (nph - 1) * 2
    g_wait(rows_a, gsa)
    s_start(c0, rows_a, ssa)
    s_wait(rows_b, ssb)
    g_start(c0 + 1, rows_b, gsb)
    g_wait(rows_b, gsb)
    s_start(c0 + 1, rows_b, ssb)
    s_wait(rows_a, ssa)
    s_wait(rows_b, ssb)


def _proj_kernel(x_ref, w_ref, bias_ref, out_ref):
    for j in range(_BL):
        out_ref[j] = (
            lax.dot_general(
                w_ref[...],
                x_ref[j],
                dimension_numbers=(((1,), (1,)), ((), ())),
                preferred_element_type=jnp.float32,
            )
            + bias_ref[...]
        )


def _proj_update_kernel(x_ref, w_ref, bias_ref, prev_ref, out_ref):
    del prev_ref
    _proj_kernel(x_ref, w_ref, bias_ref, out_ref)


def _onehot_proj_kernel(ids_ref, tt_ref, w_ref, bias_ref, out_ref):
    i = pl.program_id(0)
    v, bsz = out_ref.shape[1], out_ref.shape[2]
    for j in range(_BL):
        idrow = ids_ref[pl.ds(i * _BL + j, 1)]
        sel = jnp.where(
            lax.broadcasted_iota(jnp.int32, (v, bsz), 0) == idrow,
            jnp.float32(1),
            jnp.float32(0),
        )
        xt = jnp.dot(tt_ref[...], sel, preferred_element_type=jnp.float32)
        out_ref[j] = (
            jnp.dot(w_ref[...], xt, preferred_element_type=jnp.float32)
            + bias_ref[...]
        )


def kernel(input_ids, embed_table, proj_w, proj_b):
    b, l = input_ids.shape
    v, d = embed_table.shape
    n = b * l

    table_pad = jnp.pad(embed_table, ((0, 0), (0, _DPAD - d)))
    w_pad = jnp.pad(proj_w, ((0, 0), (0, _DPAD - d)))
    bias = proj_b.reshape(v, 1)
    ids = input_ids.T.reshape(n).astype(jnp.int32)

    def make_gather(n_c):
        return pl.kernel(
            _gather_body,
            out_type=jax.ShapeDtypeStruct((n_c, _DPAD), jnp.float32),
            mesh=plsc.VectorSubcoreMesh(
                core_axis_name="c", subcore_axis_name="s",
                num_cores=_NUM_CORES, num_subcores=_NUM_SUBCORES,
            ),
            scratch_types=[
                pltpu.VMEM_SHARED((v, _DPAD), jnp.float32),
                pltpu.VMEM((n_c // _NUM_WORKERS,), jnp.int32),
                pltpu.VMEM((_CHUNK, _DPAD), jnp.float32),
                pltpu.VMEM((_CHUNK, _DPAD), jnp.float32),
                pltpu.SemaphoreType.DMA,
                pltpu.SemaphoreType.DMA,
                pltpu.SemaphoreType.DMA,
                pltpu.SemaphoreType.DMA,
            ],
        )

    xs = [None]
    l_off = _SPLITS[0]
    for l_c in _SPLITS[1:]:
        n_c = l_c * b
        xs.append(
            make_gather(n_c)(
                table_pad, lax.slice(ids, (l_off * b,), ((l_off + l_c) * b,))
            ).reshape(l_c, b, _DPAD)
        )
        l_off += l_c

    common = dict(
        out_shape=jax.ShapeDtypeStruct((l, v, b), jnp.float32),
        compiler_params=pltpu.CompilerParams(
            dimension_semantics=("arbitrary",),
            vmem_limit_bytes=120 * 1024 * 1024,
        ),
    )
    x_spec = pl.BlockSpec((_BL, b, _DPAD), lambda i: (i, 0, 0))
    w_spec = pl.BlockSpec((v, _DPAD), lambda i: (0, 0))
    b_spec = pl.BlockSpec((v, 1), lambda i: (0, 0))

    ids0 = lax.slice(ids, (0,), (_SPLITS[0] * b,)).reshape(_SPLITS[0], b)
    tt_pad = jnp.pad(embed_table.T, ((0, _DPAD - d), (0, 0)))
    out_t = pl.pallas_call(
        _onehot_proj_kernel,
        grid=(_SPLITS[0] // _BL,),
        in_specs=[
            pl.BlockSpec((_SPLITS[0], b), lambda i: (0, 0)),
            pl.BlockSpec((_DPAD, v), lambda i: (0, 0)),
            w_spec,
            b_spec,
        ],
        out_specs=pl.BlockSpec((_BL, v, b), lambda i: (i, 0, 0)),
        **common,
    )(ids0, tt_pad, w_pad, bias)

    l_off = _SPLITS[0]
    for c in range(1, len(_SPLITS)):
        out_t = pl.pallas_call(
            _proj_update_kernel,
            grid=(_SPLITS[c] // _BL,),
            in_specs=[
                x_spec,
                w_spec,
                b_spec,
                pl.BlockSpec(memory_space=pl.ANY),
            ],
            out_specs=pl.BlockSpec(
                (_BL, v, b),
                functools.partial(lambda off, i: (off + i, 0, 0), l_off // _BL),
            ),
            input_output_aliases={3: 0},
            **common,
        )(xs[c], w_pad, bias, out_t)
        l_off += _SPLITS[c]

    return jnp.transpose(out_t, (2, 0, 1))

# --- scband reference (transcript-rebuilt; emitter-appended) ---
"""Pipeline reference for scband-tiny-lm-5007931867296 (READ-ONLY COPY).

The authoritative reference and input builder live on the scoring server;
editing this copy changes nothing except your own understanding.
"""

import jax, jax.numpy as jnp
import numpy as np

VOCAB = 1000
D = 64
B = 1024
L = 50


def setup_inputs(seed: int = 0) -> dict:
    key = jax.random.key(seed)
    k1, k2, k3, k4 = jax.random.split(key, 4)
    input_ids = jax.random.randint(k1, (B, L), 0, VOCAB, dtype=jnp.int64 if jax.config.jax_enable_x64 else jnp.int32)
    embed_table = jax.random.normal(k2, (VOCAB, D), dtype=jnp.float32) * 0.02
    proj_w = jax.random.normal(k3, (VOCAB, D), dtype=jnp.float32) * 0.02
    proj_b = jax.random.normal(k4, (VOCAB,), dtype=jnp.float32) * 0.02
    return {"input_ids": input_ids, "embed_table": embed_table, "proj_w": proj_w, "proj_b": proj_b}


def reference(input_ids, embed_table, proj_w, proj_b):
    # x = embed(input_ids)  -> gather rows from embedding table
    x = jnp.take(embed_table, input_ids, axis=0)  # [B, L, D]
    # proj(x) = x @ W^T + b  (torch nn.Linear semantics)
    logits = jnp.einsum('bld,vd->blv', x, proj_w) + proj_b  # [B, L, VOCAB]
    return logits

if __name__ == "__main__":
    import jax
    _d = setup_inputs()
    print(jax.jit(kernel)(*tuple(_d.values())))

</pallas_src>

<mosaic_0001>
#map = affine_map<(d0, d1) -> (0, 0)>
#map1 = affine_map<(d0, d1) -> (0)>
module attributes {stable_mosaic.version = 14 : i64} {
  func.func @_gather_body(%arg0: i32, %arg1: i32, %arg2: memref<1000x128xf32, #tpu.memory_space<hbm>>, %arg3: memref<20480xi32, #tpu.memory_space<hbm>>, %arg4: memref<20480x128xf32, #tpu.memory_space<hbm>>, %arg5: memref<1000x128xf32, #tpu.memory_space<vmem_shared>>, %arg6: memref<640xi32, #tpu.memory_space<vmem>>, %arg7: memref<64x128xf32, #tpu.memory_space<vmem>>, %arg8: memref<64x128xf32, #tpu.memory_space<vmem>>, %arg9: memref<!tpu.dma_semaphore, #tpu.memory_space<semaphore_mem>>, %arg10: memref<!tpu.dma_semaphore, #tpu.memory_space<semaphore_mem>>, %arg11: memref<!tpu.dma_semaphore, #tpu.memory_space<semaphore_mem>>, %arg12: memref<!tpu.dma_semaphore, #tpu.memory_space<semaphore_mem>>) attributes {dimension_semantics = [#tpu.dimension_semantics<core_parallel>, #tpu.dimension_semantics<subcore_parallel>], iteration_bounds = array<i64: 2, 16>, scalar_prefetch = 0 : i64, scratch_operands = 8 : i64, tpu.core_type = #tpu.core_type<sc_vector_subcore>, window_params = [{transform_indices = #map}, {transform_indices = #map1}, {transform_indices = #map}]} {
    %mul3A = arith.constant 2 : i32
    %mul3A_0 = arith.muli %arg1, %mul3A : i32
    %add3A = arith.addi %mul3A_0, %arg0 : i32
    %mul3A_1 = arith.constant 640 : i32
    %mul3A_2 = arith.muli %add3A, %mul3A_1 : i32
    %multiple_of3A = tpu.assume_multiple %mul3A_2, 8 : i32
    %eq3A = arith.constant 0 : i32
    %eq3A_3 = arith.cmpi eq, %arg1, %eq3A : i32
    %convert_element_type3A = arith.extui %eq3A_3 : i1 to i32
    %cond3A = arith.constant 0 : i32
    %cond3A_4 = arith.cmpi ne, %convert_element_type3A, %cond3A : i32
    scf.if %cond3A_4 {
      "tpu.region"() ({
        %run_scoped3A = tpu.sem_alloc : memref<!tpu.dma_semaphore, #tpu.memory_space<semaphore_mem>>
        tpu.enqueue_dma source(%arg2 : memref<1000x128xf32, #tpu.memory_space<hbm>>) target(%arg5 : memref<1000x128xf32, #tpu.memory_space<vmem_shared>>) target_semaphore(%run_scoped3A : memref<!tpu.dma_semaphore, #tpu.memory_space<semaphore_mem>>)
        tpu.wait_dma2 semaphore(%run_scoped3A : memref<!tpu.dma_semaphore, #tpu.memory_space<semaphore_mem>>) src(%arg2 : memref<1000x128xf32, #tpu.memory_space<hbm>>) dst(%arg5 : memref<1000x128xf32, #tpu.memory_space<vmem_shared>>)
        tpu.yield
      }) : () -> ()
    } else {
    }
    "tpu.region"() ({
      %run_scoped3A = tpu.sem_alloc : memref<!tpu.dma_semaphore, #tpu.memory_space<semaphore_mem>>
      %dma_start3A_100 = tpu.memref_slice %arg3[%multiple_of3A] : memref<20480xi32, #tpu.memory_space<hbm>> -> memref<640xi32, #tpu.memory_space<hbm>>
      %dma_start3A_101 = tpu.memref_slice %arg3[%multiple_of3A] : memref<20480xi32, #tpu.memory_space<hbm>> -> memref<640xi32, #tpu.memory_space<hbm>>
      tpu.enqueue_dma source(%dma_start3A_101 : memref<640xi32, #tpu.memory_space<hbm>>) target(%arg6 : memref<640xi32, #tpu.memory_space<vmem>>) target_semaphore(%run_scoped3A : memref<!tpu.dma_semaphore, #tpu.memory_space<semaphore_mem>>)
      %dma_wait3A_102 = tpu.memref_slice %arg3[%multiple_of3A] : memref<20480xi32, #tpu.memory_space<hbm>> -> memref<640xi32, #tpu.memory_space<hbm>>
      %dma_wait3A_103 = tpu.memref_slice %arg3[%multiple_of3A] : memref<20480xi32, #tpu.memory_space<hbm>> -> memref<640xi32, #tpu.memory_space<hbm>>
      tpu.wait_dma2 semaphore(%run_scoped3A : memref<!tpu.dma_semaphore, #tpu.memory_space<semaphore_mem>>) src(%dma_wait3A_103 : memref<640xi32, #tpu.memory_space<hbm>>) dst(%arg6 : memref<640xi32, #tpu.memory_space<vmem>>)
      tpu.yield
    }) : () -> ()
    %barrier3A = arith.constant 0 : index
    tpu.barrier barrier_id(%barrier3A)
    %multiple_of3A_5 = arith.constant 0 : i32
    %multiple_of3A_6 = tpu.assume_multiple %multiple_of3A_5, 8 : i32
    %dma_start3A = tpu.memref_slice %arg6[%multiple_of3A_6] : memref<640xi32, #tpu.memory_space<vmem>> -> memref<64xi32, #tpu.memory_space<vmem>>
    %dma_start3A_7 = arith.constant 0 : i32
    %dma_start3A_8 = arith.constant 0 : i32
    %dma_start3A_9 = tpu.memref_slice %arg5[%dma_start3A_7, %dma_start3A_8] : memref<1000x128xf32, #tpu.memory_space<vmem_shared>> -> memref<1000x128xf32, #tpu.memory_space<vmem_shared>>
    tpu.enqueue_indirect_dma source(%dma_start3A_9 : memref<1000x128xf32, #tpu.memory_space<vmem_shared>>) target(%arg7 : memref<64x128xf32, #tpu.memory_space<vmem>>) offsets(%dma_start3A : memref<64xi32, #tpu.memory_space<vmem>>) semaphore(%arg9 : memref<!tpu.dma_semaphore, #tpu.memory_space<semaphore_mem>>)
    %dma_wait3A = arith.constant 0 : i32
    %dma_wait3A_10 = arith.constant 0 : i32
    %dma_wait3A_11 = tpu.memref_slice %arg2[%dma_wait3A, %dma_wait3A_10] : memref<1000x128xf32, #tpu.memory_space<hbm>> -> memref<64x128xf32, #tpu.memory_space<hbm>>
    %dma_wait3A_12 = arith.constant 0 : i32
    %dma_wait3A_13 = arith.constant 0 : i32
    %dma_wait3A_14 = tpu.memref_slice %arg2[%dma_wait3A_12, %dma_wait3A_13] : memref<1000x128xf32, #tpu.memory_space<hbm>> -> memref<64x128xf32, #tpu.memory_space<hbm>>
    tpu.wait_dma2 semaphore(%arg9 : memref<!tpu.dma_semaphore, #tpu.memory_space<semaphore_mem>>) src(%dma_wait3A_14 : memref<64x128xf32, #tpu.memory_space<hbm>>) dst(%arg7 : memref<64x128xf32, #tpu.memory_space<vmem>>)
    %add3A_15 = arith.constant 0 : i32
    %add3A_16 = arith.addi %multiple_of3A, %add3A_15 : i32
    %multiple_of3A_17 = tpu.assume_multiple %add3A_16, 8 : i32
    %dma_start3A_18 = arith.constant 0 : i32
    %dma_start3A_19 = tpu.memref_slice %arg4[%multiple_of3A_17, %dma_start3A_18] : memref<20480x128xf32, #tpu.memory_space<hbm>> -> memref<64x128xf32, #tpu.memory_space<hbm>>
    %dma_start3A_20 = arith.constant 0 : i32
    %dma_start3A_21 = tpu.memref_slice %arg4[%multiple_of3A_17, %dma_start3A_20] : memref<20480x128xf32, #tpu.memory_space<hbm>> -> memref<64x128xf32, #tpu.memory_space<hbm>>
    tpu.enqueue_dma source(%arg7 : memref<64x128xf32, #tpu.memory_space<vmem>>) target(%dma_start3A_21 : memref<64x128xf32, #tpu.memory_space<hbm>>) target_semaphore(%arg11 : memref<!tpu.dma_semaphore, #tpu.memory_space<semaphore_mem>>)
    %multiple_of3A_22 = arith.constant 64 : i32
    %multiple_of3A_23 = tpu.assume_multiple %multiple_of3A_22, 8 : i32
    %dma_start3A_24 = tpu.memref_slice %arg6[%multiple_of3A_23] : memref<640xi32, #tpu.memory_space<vmem>> -> memref<64xi32, #tpu.memory_space<vmem>>
    %dma_start3A_25 = arith.constant 0 : i32
    %dma_start3A_26 = arith.constant 0 : i32
    %dma_start3A_27 = tpu.memref_slice %arg5[%dma_start3A_25, %dma_start3A_26] : memref<1000x128xf32, #tpu.memory_space<vmem_shared>> -> memref<1000x128xf32, #tpu.memory_space<vmem_shared>>
    tpu.enqueue_indirect_dma source(%dma_start3A_27 : memref<1000x128xf32, #tpu.memory_space<vmem_shared>>) target(%arg8 : memref<64x128xf32, #tpu.memory_space<vmem>>) offsets(%dma_start3A_24 : memref<64xi32, #tpu.memory_space<vmem>>) semaphore(%arg10 : memref<!tpu.dma_semaphore, #tpu.memory_space<semaphore_mem>>)
    %dma_wait3A_28 = arith.constant 0 : i32
    %dma_wait3A_29 = arith.constant 0 : i32
    %dma_wait3A_30 = tpu.memref_slice %arg2[%dma_wait3A_28, %dma_wait3A_29] : memref<1000x128xf32, #tpu.memory_space<hbm>> -> memref<64x128xf32, #tpu.memory_space<hbm>>
    %dma_wait3A_31 = arith.constant 0 : i32
    %dma_wait3A_32 = arith.constant 0 : i32
    %dma_wait3A_33 = tpu.memref_slice %arg2[%dma_wait3A_31, %dma_wait3A_32] : memref<1000x128xf32, #tpu.memory_space<hbm>> -> memref<64x128xf32, #tpu.memory_space<hbm>>
    tpu.wait_dma2 semaphore(%arg10 : memref<!tpu.dma_semaphore, #tpu.memory_space<semaphore_mem>>) src(%dma_wait3A_33 : memref<64x128xf32, #tpu.memory_space<hbm>>) dst(%arg8 : memref<64x128xf32, #tpu.memory_space<vmem>>)
    %add3A_34 = arith.constant 64 : i32
    %add3A_35 = arith.addi %multiple_of3A, %add3A_34 : i32
    %multiple_of3A_36 = tpu.assume_multiple %add3A_35, 8 : i32
    %dma_start3A_37 = arith.constant 0 : i32
    %dma_start3A_38 = tpu.memref_slice %arg4[%multiple_of3A_36, %dma_start3A_37] : memref<20480x128xf32, #tpu.memory_space<hbm>> -> memref<64x128xf32, #tpu.memory_space<hbm>>
    %dma_start3A_39 = arith.constant 0 : i32
    %dma_start3A_40 = tpu.memref_slice %arg4[%multiple_of3A_36, %dma_start3A_39] : memref<20480x128xf32, #tpu.memory_space<hbm>> -> memref<64x128xf32, #tpu.memory_space<hbm>>
    tpu.enqueue_dma source(%arg8 : memref<64x128xf32, #tpu.memory_space<vmem>>) target(%dma_start3A_40 : memref<64x128xf32, #tpu.memory_space<hbm>>) target_semaphore(%arg12 : memref<!tpu.dma_semaphore, #tpu.memory_space<semaphore_mem>>)
    %dma_wait3A_41 = arith.constant 0 : i32
    %dma_wait3A_42 = tpu.memref_slice %arg4[%multiple_of3A, %dma_wait3A_41] : memref<20480x128xf32, #tpu.memory_space<hbm>> -> memref<64x128xf32, #tpu.memory_space<hbm>>
    %dma_wait3A_43 = arith.constant 0 : i32
    %dma_wait3A_44 = tpu.memref_slice %arg4[%multiple_of3A, %dma_wait3A_43] : memref<20480x128xf32, #tpu.memory_space<hbm>> -> memref<64x128xf32, #tpu.memory_space<hbm>>
    tpu.wait_dma2 semaphore(%arg11 : memref<!tpu.dma_semaphore, #tpu.memory_space<semaphore_mem>>) src(%arg7 : memref<64x128xf32, #tpu.memory_space<vmem>>) dst(%dma_wait3A_44 : memref<64x128xf32, #tpu.memory_space<hbm>>)
    %multiple_of3A_45 = arith.constant 128 : i32
    %multiple_of3A_46 = tpu.assume_multiple %multiple_of3A_45, 8 : i32
    %dma_start3A_47 = tpu.memref_slice %arg6[%multiple_of3A_46] : memref<640xi32, #tpu.memory_space<vmem>> -> memref<64xi32, #tpu.memory_space<vmem>>
    %dma_start3A_48 = arith.constant 0 : i32
    %dma_start3A_49 = arith.constant 0 : i32
    %dma_start3A_50 = tpu.memref_slice %arg5[%dma_start3A_48, %dma_start3A_49] : memref<1000x128xf32, #tpu.memory_space<vmem_shared>> -> memref<1000x128xf32, #tpu.memory_space<vmem_shared>>
    tpu.enqueue_indirect_dma source(%dma_start3A_50 : memref<1000x128xf32, #tpu.memory_space<vmem_shared>>) target(%arg7 : memref<64x128xf32, #tpu.memory_space<vmem>>) offsets(%dma_start3A_47 : memref<64xi32, #tpu.memory_space<vmem>>) semaphore(%arg9 : memref<!tpu.dma_semaphore, #tpu.memory_space<semaphore_mem>>)
    %scan3A = arith.constant 0 : i32
    %scan3A_51 = arith.constant 1 : i32
    %scan3A_52 = arith.constant 3 : i32
    %scan3A_53 = arith.addi %scan3A_51, %scan3A_52 : i32
    %scan3A_54 = arith.constant 1 : i32
    scf.for %scan3A_100 = %scan3A_51 to %scan3A_53 step %scan3A_54  : i32 {
      %mul3A_101 = arith.constant 2 : i32
      %mul3A_102 = arith.muli %scan3A_100, %mul3A_101 : i32
      %dma_wait3A_103 = arith.constant 0 : i32
      %dma_wait3A_104 = arith.constant 0 : i32
      %dma_wait3A_105 = tpu.memref_slice %arg2[%dma_wait3A_103, %dma_wait3A_104] : memref<1000x128xf32, #tpu.memory_space<hbm>> -> memref<64x128xf32, #tpu.memory_space<hbm>>
      %dma_wait3A_106 = arith.constant 0 : i32
      %dma_wait3A_107 = arith.constant 0 : i32
      %dma_wait3A_108 = tpu.memref_slice %arg2[%dma_wait3A_106, %dma_wait3A_107] : memref<1000x128xf32, #tpu.memory_space<hbm>> -> memref<64x128xf32, #tpu.memory_space<hbm>>
      tpu.wait_dma2 semaphore(%arg9 : memref<!tpu.dma_semaphore, #tpu.memory_space<semaphore_mem>>) src(%dma_wait3A_108 : memref<64x128xf32, #tpu.memory_space<hbm>>) dst(%arg7 : memref<64x128xf32, #tpu.memory_space<vmem>>)
      %mul3A_109 = arith.constant 64 : i32
      %mul3A_110 = arith.muli %mul3A_102, %mul3A_109 : i32
      %add3A_111 = arith.addi %multiple_of3A, %mul3A_110 : i32
      %multiple_of3A_112 = tpu.assume_multiple %add3A_111, 8 : i32
      %dma_start3A_113 = arith.constant 0 : i32
      %dma_start3A_114 = tpu.memref_slice %arg4[%multiple_of3A_112, %dma_start3A_113] : memref<20480x128xf32, #tpu.memory_space<hbm>> -> memref<64x128xf32, #tpu.memory_space<hbm>>
      %dma_start3A_115 = arith.constant 0 : i32
      %dma_start3A_116 = tpu.memref_slice %arg4[%multiple_of3A_112, %dma_start3A_115] : memref<20480x128xf32, #tpu.memory_space<hbm>> -> memref<64x128xf32, #tpu.memory_space<hbm>>
      tpu.enqueue_dma source(%arg7 : memref<64x128xf32, #tpu.memory_space<vmem>>) target(%dma_start3A_116 : memref<64x128xf32, #tpu.memory_space<hbm>>) target_semaphore(%arg11 : memref<!tpu.dma_semaphore, #tpu.memory_space<semaphore_mem>>)
      %dma_wait3A_117 = arith.constant 0 : i32
      %dma_wait3A_118 = tpu.memref_slice %arg4[%multiple_of3A, %dma_wait3A_117] : memref<20480x128xf32, #tpu.memory_space<hbm>> -> memref<64x128xf32, #tpu.memory_space<hbm>>
      %dma_wait3A_119 = arith.constant 0 : i32
      %dma_wait3A_120 = tpu.memref_slice %arg4[%multiple_of3A, %dma_wait3A_119] : memref<20480x128xf32, #tpu.memory_space<hbm>> -> memref<64x128xf32, #tpu.memory_space<hbm>>
      tpu.wait_dma2 semaphore(%arg12 : memref<!tpu.dma_semaphore, #tpu.memory_space<semaphore_mem>>) src(%arg8 : memref<64x128xf32, #tpu.memory_space<vmem>>) dst(%dma_wait3A_120 : memref<64x128xf32, #tpu.memory_space<hbm>>)
      %add3A_121 = arith.constant 1 : i32
      %add3A_122 = arith.addi %mul3A_102, %add3A_121 : i32
      %mul3A_123 = arith.constant 64 : i32
      %mul3A_124 = arith.muli %add3A_122, %mul3A_123 : i32
      %multiple_of3A_125 = tpu.assume_multiple %mul3A_124, 8 : i32
      %dma_start3A_126 = tpu.memref_slice %arg6[%multiple_of3A_125] : memref<640xi32, #tpu.memory_space<vmem>> -> memref<64xi32, #tpu.memory_space<vmem>>
      %dma_start3A_127 = arith.constant 0 : i32
      %dma_start3A_128 = arith.constant 0 : i32
      %dma_start3A_129 = tpu.memref_slice %arg5[%dma_start3A_127, %dma_start3A_128] : memref<1000x128xf32, #tpu.memory_space<vmem_shared>> -> memref<1000x128xf32, #tpu.memory_space<vmem_shared>>
      tpu.enqueue_indirect_dma source(%dma_start3A_129 : memref<1000x128xf32, #tpu.memory_space<vmem_shared>>) target(%arg8 : memref<64x128xf32, #tpu.memory_space<vmem>>) offsets(%dma_start3A_126 : memref<64xi32, #tpu.memory_space<vmem>>) semaphore(%arg10 : memref<!tpu.dma_semaphore, #tpu.memory_space<semaphore_mem>>)
      %dma_wait3A_130 = arith.constant 0 : i32
      %dma_wait3A_131 = arith.constant 0 : i32
      %dma_wait3A_132 = tpu.memref_slice %arg2[%dma_wait3A_130, %dma_wait3A_131] : memref<1000x128xf32, #tpu.memory_space<hbm>> -> memref<64x128xf32, #tpu.memory_space<hbm>>
      %dma_wait3A_133 = arith.constant 0 : i32
      %dma_wait3A_134 = arith.constant 0 : i32
      %dma_wait3A_135 = tpu.memref_slice %arg2[%dma_wait3A_133, %dma_wait3A_134] : memref<1000x128xf32, #tpu.memory_space<hbm>> -> memref<64x128xf32, #tpu.memory_space<hbm>>
      tpu.wait_dma2 semaphore(%arg10 : memref<!tpu.dma_semaphore, #tpu.memory_space<semaphore_mem>>) src(%dma_wait3A_135 : memref<64x128xf32, #tpu.memory_space<hbm>>) dst(%arg8 : memref<64x128xf32, #tpu.memory_space<vmem>>)
      %add3A_136 = arith.constant 1 : i32
      %add3A_137 = arith.addi %mul3A_102, %add3A_136 : i32
      %mul3A_138 = arith.constant 64 : i32
      %mul3A_139 = arith.muli %add3A_137, %mul3A_138 : i32
      %add3A_140 = arith.addi %multiple_of3A, %mul3A_139 : i32
      %multiple_of3A_141 = tpu.assume_multiple %add3A_140, 8 : i32
      %dma_start3A_142 = arith.constant 0 : i32
      %dma_start3A_143 = tpu.memref_slice %arg4[%multiple_of3A_141, %dma_start3A_142] : memref<20480x128xf32, #tpu.memory_space<hbm>> -> memref<64x128xf32, #tpu.memory_space<hbm>>
      %dma_start3A_144 = arith.constant 0 : i32
      %dma_start3A_145 = tpu.memref_slice %arg4[%multiple_of3A_141, %dma_start3A_144] : memref<20480x128xf32, #tpu.memory_space<hbm>> -> memref<64x128xf32, #tpu.memory_space<hbm>>
      tpu.enqueue_dma source(%arg8 : memref<64x128xf32, #tpu.memory_space<vmem>>) target(%dma_start3A_145 : memref<64x128xf32, #tpu.memory_space<hbm>>) target_semaphore(%arg12 : memref<!tpu.dma_semaphore, #tpu.memory_space<semaphore_mem>>)
      %dma_wait3A_146 = arith.constant 0 : i32
      %dma_wait3A_147 = tpu.memref_slice %arg4[%multiple_of3A, %dma_wait3A_146] : memref<20480x128xf32, #tpu.memory_space<hbm>> -> memref<64x128xf32, #tpu.memory_space<hbm>>
      %dma_wait3A_148 = arith.constant 0 : i32
      %dma_wait3A_149 = tpu.memref_slice %arg4[%multiple_of3A, %dma_wait3A_148] : memref<20480x128xf32, #tpu.memory_space<hbm>> -> memref<64x128xf32, #tpu.memory_space<hbm>>
      tpu.wait_dma2 semaphore(%arg11 : memref<!tpu.dma_semaphore, #tpu.memory_space<semaphore_mem>>) src(%arg7 : memref<64x128xf32, #tpu.memory_space<vmem>>) dst(%dma_wait3A_149 : memref<64x128xf32, #tpu.memory_space<hbm>>)
      %add3A_150 = arith.constant 2 : i32
      %add3A_151 = arith.addi %mul3A_102, %add3A_150 : i32
      %mul3A_152 = arith.constant 64 : i32
      %mul3A_153 = arith.muli %add3A_151, %mul3A_152 : i32
      %multiple_of3A_154 = tpu.assume_multiple %mul3A_153, 8 : i32
      %dma_start3A_155 = tpu.memref_slice %arg6[%multiple_of3A_154] : memref<640xi32, #tpu.memory_space<vmem>> -> memref<64xi32, #tpu.memory_space<vmem>>
      %dma_start3A_156 = arith.constant 0 : i32
      %dma_start3A_157 = arith.constant 0 : i32
      %dma_start3A_158 = tpu.memref_slice %arg5[%dma_start3A_156, %dma_start3A_157] : memref<1000x128xf32, #tpu.memory_space<vmem_shared>> -> memref<1000x128xf32, #tpu.memory_space<vmem_shared>>
      tpu.enqueue_indirect_dma source(%dma_start3A_158 : memref<1000x128xf32, #tpu.memory_space<vmem_shared>>) target(%arg7 : memref<64x128xf32, #tpu.memory_space<vmem>>) offsets(%dma_start3A_155 : memref<64xi32, #tpu.memory_space<vmem>>) semaphore(%arg9 : memref<!tpu.dma_semaphore, #tpu.memory_space<semaphore_mem>>)
    }
    %scan3A_55 = arith.constant 3 : i32
    %dma_wait3A_56 = arith.constant 0 : i32
    %dma_wait3A_57 = arith.constant 0 : i32
    %dma_wait3A_58 = tpu.memref_slice %arg2[%dma_wait3A_56, %dma_wait3A_57] : memref<1000x128xf32, #tpu.memory_space<hbm>> -> memref<64x128xf32, #tpu.memory_space<hbm>>
    %dma_wait3A_59 = arith.constant 0 : i32
    %dma_wait3A_60 = arith.constant 0 : i32
    %dma_wait3A_61 = tpu.memref_slice %arg2[%dma_wait3A_59, %dma_wait3A_60] : memref<1000x128xf32, #tpu.memory_space<hbm>> -> memref<64x128xf32, #tpu.memory_space<hbm>>
    tpu.wait_dma2 semaphore(%arg9 : memref<!tpu.dma_semaphore, #tpu.memory_space<semaphore_mem>>) src(%dma_wait3A_61 : memref<64x128xf32, #tpu.memory_space<hbm>>) dst(%arg7 : memref<64x128xf32, #tpu.memory_space<vmem>>)
    %add3A_62 = arith.constant 512 : i32
    %add3A_63 = arith.addi %multiple_of3A, %add3A_62 : i32
    %multiple_of3A_64 = tpu.assume_multiple %add3A_63, 8 : i32
    %dma_start3A_65 = arith.constant 0 : i32
    %dma_start3A_66 = tpu.memref_slice %arg4[%multiple_of3A_64, %dma_start3A_65] : memref<20480x128xf32, #tpu.memory_space<hbm>> -> memref<64x128xf32, #tpu.memory_space<hbm>>
    %dma_start3A_67 = arith.constant 0 : i32
    %dma_start3A_68 = tpu.memref_slice %arg4[%multiple_of3A_64, %dma_start3A_67] : memref<20480x128xf32, #tpu.memory_space<hbm>> -> memref<64x128xf32, #tpu.memory_space<hbm>>
    tpu.enqueue_dma source(%arg7 : memref<64x128xf32, #tpu.memory_space<vmem>>) target(%dma_start3A_68 : memref<64x128xf32, #tpu.memory_space<hbm>>) target_semaphore(%arg11 : memref<!tpu.dma_semaphore, #tpu.memory_space<semaphore_mem>>)
    %dma_wait3A_69 = arith.constant 0 : i32
    %dma_wait3A_70 = tpu.memref_slice %arg4[%multiple_of3A, %dma_wait3A_69] : memref<20480x128xf32, #tpu.memory_space<hbm>> -> memref<64x128xf32, #tpu.memory_space<hbm>>
    %dma_wait3A_71 = arith.constant 0 : i32
    %dma_wait3A_72 = tpu.memref_slice %arg4[%multiple_of3A, %dma_wait3A_71] : memref<20480x128xf32, #tpu.memory_space<hbm>> -> memref<64x128xf32, #tpu.memory_space<hbm>>
    tpu.wait_dma2 semaphore(%arg12 : memref<!tpu.dma_semaphore, #tpu.memory_space<semaphore_mem>>) src(%arg8 : memref<64x128xf32, #tpu.memory_space<vmem>>) dst(%dma_wait3A_72 : memref<64x128xf32, #tpu.memory_space<hbm>>)
    %multiple_of3A_73 = arith.constant 576 : i32
    %multiple_of3A_74 = tpu.assume_multiple %multiple_of3A_73, 8 : i32
    %dma_start3A_75 = tpu.memref_slice %arg6[%multiple_of3A_74] : memref<640xi32, #tpu.memory_space<vmem>> -> memref<64xi32, #tpu.memory_space<vmem>>
    %dma_start3A_76 = arith.constant 0 : i32
    %dma_start3A_77 = arith.constant 0 : i32
    %dma_start3A_78 = tpu.memref_slice %arg5[%dma_start3A_76, %dma_start3A_77] : memref<1000x128xf32, #tpu.memory_space<vmem_shared>> -> memref<1000x128xf32, #tpu.memory_space<vmem_shared>>
    tpu.enqueue_indirect_dma source(%dma_start3A_78 : memref<1000x128xf32, #tpu.memory_space<vmem_shared>>) target(%arg8 : memref<64x128xf32, #tpu.memory_space<vmem>>) offsets(%dma_start3A_75 : memref<64xi32, #tpu.memory_space<vmem>>) semaphore(%arg10 : memref<!tpu.dma_semaphore, #tpu.memory_space<semaphore_mem>>)
    %dma_wait3A_79 = arith.constant 0 : i32
    %dma_wait3A_80 = arith.constant 0 : i32
    %dma_wait3A_81 = tpu.memref_slice %arg2[%dma_wait3A_79, %dma_wait3A_80] : memref<1000x128xf32, #tpu.memory_space<hbm>> -> memref<64x128xf32, #tpu.memory_space<hbm>>
    %dma_wait3A_82 = arith.constant 0 : i32
    %dma_wait3A_83 = arith.constant 0 : i32
    %dma_wait3A_84 = tpu.memref_slice %arg2[%dma_wait3A_82, %dma_wait3A_83] : memref<1000x128xf32, #tpu.memory_space<hbm>> -> memref<64x128xf32, #tpu.memory_space<hbm>>
    tpu.wait_dma2 semaphore(%arg10 : memref<!tpu.dma_semaphore, #tpu.memory_space<semaphore_mem>>) src(%dma_wait3A_84 : memref<64x128xf32, #tpu.memory_space<hbm>>) dst(%arg8 : memref<64x128xf32, #tpu.memory_space<vmem>>)
    %add3A_85 = arith.constant 576 : i32
    %add3A_86 = arith.addi %multiple_of3A, %add3A_85 : i32
    %multiple_of3A_87 = tpu.assume_multiple %add3A_86, 8 : i32
    %dma_start3A_88 = arith.constant 0 : i32
    %dma_start3A_89 = tpu.memref_slice %arg4[%multiple_of3A_87, %dma_start3A_88] : memref<20480x128xf32, #tpu.memory_space<hbm>> -> memref<64x128xf32, #tpu.memory_space<hbm>>
    %dma_start3A_90 = arith.constant 0 : i32
    %dma_start3A_91 = tpu.memref_slice %arg4[%multiple_of3A_87, %dma_start3A_90] : memref<20480x128xf32, #tpu.memory_space<hbm>> -> memref<64x128xf32, #tpu.memory_space<hbm>>
    tpu.enqueue_dma source(%arg8 : memref<64x128xf32, #tpu.memory_space<vmem>>) target(%dma_start3A_91 : memref<64x128xf32, #tpu.memory_space<hbm>>) target_semaphore(%arg12 : memref<!tpu.dma_semaphore, #tpu.memory_space<semaphore_mem>>)
    %dma_wait3A_92 = arith.constant 0 : i32
    %dma_wait3A_93 = tpu.memref_slice %arg4[%multiple_of3A, %dma_wait3A_92] : memref<20480x128xf32, #tpu.memory_space<hbm>> -> memref<64x128xf32, #tpu.memory_space<hbm>>
    %dma_wait3A_94 = arith.constant 0 : i32
    %dma_wait3A_95 = tpu.memref_slice %arg4[%multiple_of3A, %dma_wait3A_94] : memref<20480x128xf32, #tpu.memory_space<hbm>> -> memref<64x128xf32, #tpu.memory_space<hbm>>
    tpu.wait_dma2 semaphore(%arg11 : memref<!tpu.dma_semaphore, #tpu.memory_space<semaphore_mem>>) src(%arg7 : memref<64x128xf32, #tpu.memory_space<vmem>>) dst(%dma_wait3A_95 : memref<64x128xf32, #tpu.memory_space<hbm>>)
    %dma_wait3A_96 = arith.constant 0 : i32
    %dma_wait3A_97 = tpu.memref_slice %arg4[%multiple_of3A, %dma_wait3A_96] : memref<20480x128xf32, #tpu.memory_space<hbm>> -> memref<64x128xf32, #tpu.memory_space<hbm>>
    %dma_wait3A_98 = arith.constant 0 : i32
    %dma_wait3A_99 = tpu.memref_slice %arg4[%multiple_of3A, %dma_wait3A_98] : memref<20480x128xf32, #tpu.memory_space<hbm>> -> memref<64x128xf32, #tpu.memory_space<hbm>>
    tpu.wait_dma2 semaphore(%arg12 : memref<!tpu.dma_semaphore, #tpu.memory_space<semaphore_mem>>) src(%arg8 : memref<64x128xf32, #tpu.memory_space<vmem>>) dst(%dma_wait3A_99 : memref<64x128xf32, #tpu.memory_space<hbm>>)
    return
  }
}

module attributes {stable_mosaic.version = 14 : i64} {
  func.func @_onehot_proj_kernel(%arg0: i32, %arg1: memref<30x1024xi32, #tpu.memory_space<vmem>>, %arg2: memref<128x1000xf32, #tpu.memory_space<vmem>>, %arg3: memref<1000x128xf32, #tpu.memory_space<vmem>>, %arg4: memref<1000x1xf32, #tpu.memory_space<vmem>>, %arg5: memref<2x1000x1024xf32, #tpu.memory_space<vmem>>) attributes {dimension_semantics = [#tpu.dimension_semantics<arbitrary>], iteration_bounds = array<i64: 15>, scalar_prefetch = 0 : i64, scratch_operands = 0 : i64, tpu.core_type = #tpu.core_type<tc>, window_params = [{pipeline_mode = #tpu.pipeline_mode<synchronous>, transform_indices = @transform_0, window_bounds = array<i64: 30, 1024>}, {pipeline_mode = #tpu.pipeline_mode<synchronous>, transform_indices = @transform_1, window_bounds = array<i64: 128, 1000>}, {pipeline_mode = #tpu.pipeline_mode<synchronous>, transform_indices = @transform_2, window_bounds = array<i64: 1000, 128>}, {pipeline_mode = #tpu.pipeline_mode<synchronous>, transform_indices = @transform_3, window_bounds = array<i64: 1000, 1>}, {transform_indices = @transform_4, window_bounds = array<i64: 2, 1000, 1024>}]} {
    %mul3A = arith.constant 2 : i32
    %mul3A_0 = arith.muli %arg0, %mul3A : i32
    %add3A = arith.constant 0 : i32
    %add3A_1 = arith.addi %mul3A_0, %add3A : i32
    %get3A = arith.index_cast %add3A_1 : i32 to index
    %get3A_2 = arith.constant 0 : index
    %get3A_3 = vector.load %arg1[%get3A, %get3A_2] : memref<30x1024xi32, #tpu.memory_space<vmem>>, vector<1x1024xi32>
    %iota3A = tpu.iota {dimensions = array<i32: 0>} : vector<1000x1024xi32>
    %eq3A = vector.broadcast %get3A_3 : vector<1x1024xi32> to vector<1000x1024xi32>
    %eq3A_4 = arith.cmpi eq, %iota3A, %eq3A : vector<1000x1024xi32>
    %jit3A = arith.constant 1.000000e+00 : f32
    %jit3A_5 = arith.constant 0.000000e+00 : f32
    %broadcast_in_dim3A = vector.broadcast %jit3A : f32 to vector<1000x1024xf32>
    %broadcast_in_dim3A_6 = vector.broadcast %jit3A_5 : f32 to vector<1000x1024xf32>
    %select_n3A = arith.select %eq3A_4, %broadcast_in_dim3A, %broadcast_in_dim3A_6 : vector<1000x1024xi1>, vector<1000x1024xf32>
    %get3A_7 = arith.constant 0 : index
    %get3A_8 = arith.constant 0 : index
    %get3A_9 = vector.load %arg2[%get3A_7, %get3A_8] : memref<128x1000xf32, #tpu.memory_space<vmem>>, vector<128x1000xf32>
    %dot_general3A = arith.constant dense<0.000000e+00> : vector<128x1024xf32>
    %dot_general3A_10 = tpu.matmul %get3A_9, %select_n3A, %dot_general3A {dimension_numbers = #tpu.dot_dimension_numbers<[1], [0], [0], [1], [0, 0, 1, 1], [], []>, transpose_lhs_hint = false} : vector<128x1000xf32>, vector<1000x1024xf32>, vector<128x1024xf32> -> vector<128x1024xf32>
    %get3A_11 = arith.constant 0 : index
    %get3A_12 = arith.constant 0 : index
    %get3A_13 = vector.load %arg3[%get3A_11, %get3A_12] : memref<1000x128xf32, #tpu.memory_space<vmem>>, vector<1000x128xf32>
    %dot_general3A_14 = arith.constant dense<0.000000e+00> : vector<1000x1024xf32>
    %dot_general3A_15 = tpu.matmul %get3A_13, %dot_general3A_10, %dot_general3A_14 {dimension_numbers = #tpu.dot_dimension_numbers<[1], [0], [0], [1], [0, 0, 1, 1], [], []>, transpose_lhs_hint = false} : vector<1000x128xf32>, vector<128x1024xf32>, vector<1000x1024xf32> -> vector<1000x1024xf32>
    %get3A_16 = arith.constant 0 : index
    %get3A_17 = arith.constant 0 : index
    %get3A_18 = vector.load %arg4[%get3A_16, %get3A_17] : memref<1000x1xf32, #tpu.memory_space<vmem>>, vector<1000x1xf32>
    %add3A_19 = vector.broadcast %get3A_18 : vector<1000x1xf32> to vector<1000x1024xf32>
    %add3A_20 = arith.addf %dot_general3A_15, %add3A_19 : vector<1000x1024xf32>
    %swap3A = arith.constant 0 : index
    %swap3A_21 = arith.constant 0 : index
    %swap3A_22 = arith.constant 0 : index
    %swap3A_23 = vector.load %arg5[%swap3A, %swap3A_21, %swap3A_22] : memref<2x1000x1024xf32, #tpu.memory_space<vmem>>, vector<1x1000x1024xf32>
    %swap3A_24 = vector.shape_cast %swap3A_23 : vector<1x1000x1024xf32> to vector<1000x1024xf32>
    %swap3A_25 = vector.shape_cast %add3A_20 : vector<1000x1024xf32> to vector<1x1000x1024xf32>
    tpu.vector_store %arg5[%swap3A, %swap3A_21, %swap3A_22], %swap3A_25 {strides = array<i32>} : memref<2x1000x1024xf32, #tpu.memory_space<vmem>>, vector<1x1000x1024xf32>,
    %mul3A_26 = arith.constant 2 : i32
    %mul3A_27 = arith.muli %arg0, %mul3A_26 : i32
    %add3A_28 = arith.constant 1 : i32
    %add3A_29 = arith.addi %mul3A_27, %add3A_28 : i32
    %get3A_30 = arith.index_cast %add3A_29 : i32 to index
    %get3A_31 = arith.constant 0 : index
    %get3A_32 = vector.load %arg1[%get3A_30, %get3A_31] : memref<30x1024xi32, #tpu.memory_space<vmem>>, vector<1x1024xi32>
    %iota3A_33 = tpu.iota {dimensions = array<i32: 0>} : vector<1000x1024xi32>
    %eq3A_34 = vector.broadcast %get3A_32 : vector<1x1024xi32> to vector<1000x1024xi32>
    %eq3A_35 = arith.cmpi eq, %iota3A_33, %eq3A_34 : vector<1000x1024xi32>
    %jit3A_36 = arith.constant 1.000000e+00 : f32
    %jit3A_37 = arith.constant 0.000000e+00 : f32
    %broadcast_in_dim3A_38 = vector.broadcast %jit3A_36 : f32 to vector<1000x1024xf32>
    %broadcast_in_dim3A_39 = vector.broadcast %jit3A_37 : f32 to vector<1000x1024xf32>
    %select_n3A_40 = arith.select %eq3A_35, %broadcast_in_dim3A_38, %broadcast_in_dim3A_39 : vector<1000x1024xi1>, vector<1000x1024xf32>
    %get3A_41 = arith.constant 0 : index
    %get3A_42 = arith.constant 0 : index
    %get3A_43 = vector.load %arg2[%get3A_41, %get3A_42] : memref<128x1000xf32, #tpu.memory_space<vmem>>, vector<128x1000xf32>
    %dot_general3A_44 = arith.constant dense<0.000000e+00> : vector<128x1024xf32>
    %dot_general3A_45 = tpu.matmul %get3A_43, %select_n3A_40, %dot_general3A_44 {dimension_numbers = #tpu.dot_dimension_numbers<[1], [0], [0], [1], [0, 0, 1, 1], [], []>, transpose_lhs_hint = false} : vector<128x1000xf32>, vector<1000x1024xf32>, vector<128x1024xf32> -> vector<128x1024xf32>
    %get3A_46 = arith.constant 0 : index
    %get3A_47 = arith.constant 0 : index
    %get3A_48 = vector.load %arg3[%get3A_46, %get3A_47] : memref<1000x128xf32, #tpu.memory_space<vmem>>, vector<1000x128xf32>
    %dot_general3A_49 = arith.constant dense<0.000000e+00> : vector<1000x1024xf32>
    %dot_general3A_50 = tpu.matmul %get3A_48, %dot_general3A_45, %dot_general3A_49 {dimension_numbers = #tpu.dot_dimension_numbers<[1], [0], [0], [1], [0, 0, 1, 1], [], []>, transpose_lhs_hint = false} : vector<1000x128xf32>, vector<128x1024xf32>, vector<1000x1024xf32> -> vector<1000x1024xf32>
    %get3A_51 = arith.constant 0 : index
    %get3A_52 = arith.constant 0 : index
    %get3A_53 = vector.load %arg4[%get3A_51, %get3A_52] : memref<1000x1xf32, #tpu.memory_space<vmem>>, vector<1000x1xf32>
    %add3A_54 = vector.broadcast %get3A_53 : vector<1000x1xf32> to vector<1000x1024xf32>
    %add3A_55 = arith.addf %dot_general3A_50, %add3A_54 : vector<1000x1024xf32>
    %swap3A_56 = arith.constant 1 : index
    %swap3A_57 = arith.constant 0 : index
    %swap3A_58 = arith.constant 0 : index
    %swap3A_59 = vector.load %arg5[%swap3A_56, %swap3A_57, %swap3A_58] : memref<2x1000x1024xf32, #tpu.memory_space<vmem>>, vector<1x1000x1024xf32>
    %swap3A_60 = vector.shape_cast %swap3A_59 : vector<1x1000x1024xf32> to vector<1000x1024xf32>
    %swap3A_61 = vector.shape_cast %add3A_55 : vector<1000x1024xf32> to vector<1x1000x1024xf32>
    tpu.vector_store %arg5[%swap3A_56, %swap3A_57, %swap3A_58], %swap3A_61 {strides = array<i32>} : memref<2x1000x1024xf32, #tpu.memory_space<vmem>>, vector<1x1000x1024xf32>,
    return
  }
  func.func @transform_0(%arg0: i32) -> (i32, i32) {
    %c0_i32 = arith.constant 0 : i32
    %c0_i32_0 = arith.constant 0 : i32
    %c0_i32_1 = arith.constant 0 : i32
    return %c0_i32, %c0_i32_0 : i32, i32
  }
  func.func @transform_1(%arg0: i32) -> (i32, i32) {
    %c0_i32 = arith.constant 0 : i32
    %c0_i32_0 = arith.constant 0 : i32
    %c0_i32_1 = arith.constant 0 : i32
    return %c0_i32, %c0_i32_0 : i32, i32
  }
  func.func @transform_2(%arg0: i32) -> (i32, i32) {
    %c0_i32 = arith.constant 0 : i32
    %c0_i32_0 = arith.constant 0 : i32
    %c0_i32_1 = arith.constant 0 : i32
    return %c0_i32, %c0_i32_0 : i32, i32
  }
  func.func @transform_3(%arg0: i32) -> (i32, i32) {
    %c0_i32 = arith.constant 0 : i32
    %c0_i32_0 = arith.constant 0 : i32
    %c0_i32_1 = arith.constant 0 : i32
    return %c0_i32, %c0_i32_0 : i32, i32
  }
  func.func @transform_4(%arg0: i32) -> (i32, i32, i32) {
    %c0_i32 = arith.constant 0 : i32
    %c0_i32_0 = arith.constant 0 : i32
    %c0_i32_1 = arith.constant 0 : i32
    return %arg0, %c0_i32, %c0_i32_0 : i32, i32, i32
  }
}

module attributes {stable_mosaic.version = 14 : i64} {
  func.func @_proj_update_kernel(%arg0: i32, %arg1: memref<2x1024x128xf32, #tpu.memory_space<vmem>>, %arg2: memref<1000x128xf32, #tpu.memory_space<vmem>>, %arg3: memref<1000x1xf32, #tpu.memory_space<vmem>>, %arg4: memref<50x1000x1024xf32, #tpu.memory_space<any>>, %arg5: memref<2x1000x1024xf32, #tpu.memory_space<vmem>>) attributes {dimension_semantics = [#tpu.dimension_semantics<arbitrary>], iteration_bounds = array<i64: 10>, scalar_prefetch = 0 : i64, scratch_operands = 0 : i64, tpu.core_type = #tpu.core_type<tc>, window_params = [{transform_indices = @transform_0, window_bounds = array<i64: 2, 1024, 128>}, {pipeline_mode = #tpu.pipeline_mode<synchronous>, transform_indices = @transform_1, window_bounds = array<i64: 1000, 128>}, {pipeline_mode = #tpu.pipeline_mode<synchronous>, transform_indices = @transform_2, window_bounds = array<i64: 1000, 1>}, {}, {transform_indices = @transform_4, window_bounds = array<i64: 2, 1000, 1024>}]} {
    %get3A = arith.constant 0 : index
    %get3A_0 = arith.constant 0 : index
    %get3A_1 = vector.load %arg2[%get3A, %get3A_0] : memref<1000x128xf32, #tpu.memory_space<vmem>>, vector<1000x128xf32>
    %get3A_2 = arith.constant 0 : index
    %get3A_3 = arith.constant 0 : index
    %get3A_4 = arith.constant 0 : index
    %get3A_5 = vector.load %arg1[%get3A_2, %get3A_3, %get3A_4] : memref<2x1024x128xf32, #tpu.memory_space<vmem>>, vector<1x1024x128xf32>
    %get3A_6 = vector.shape_cast %get3A_5 : vector<1x1024x128xf32> to vector<1024x128xf32>
    %dot_general3A = arith.constant dense<0.000000e+00> : vector<1000x1024xf32>
    %dot_general3A_7 = tpu.matmul %get3A_1, %get3A_6, %dot_general3A {dimension_numbers = #tpu.dot_dimension_numbers<[1], [1], [0], [0], [0, 0, 1, 0], [], []>, transpose_lhs_hint = false} : vector<1000x128xf32>, vector<1024x128xf32>, vector<1000x1024xf32> -> vector<1000x1024xf32>
    %get3A_8 = arith.constant 0 : index
    %get3A_9 = arith.constant 0 : index
    %get3A_10 = vector.load %arg3[%get3A_8, %get3A_9] : memref<1000x1xf32, #tpu.memory_space<vmem>>, vector<1000x1xf32>
    %add3A = vector.broadcast %get3A_10 : vector<1000x1xf32> to vector<1000x1024xf32>
    %add3A_11 = arith.addf %dot_general3A_7, %add3A : vector<1000x1024xf32>
    %swap3A = arith.constant 0 : index
    %swap3A_12 = arith.constant 0 : index
    %swap3A_13 = arith.constant 0 : index
    %swap3A_14 = vector.load %arg5[%swap3A, %swap3A_12, %swap3A_13] : memref<2x1000x1024xf32, #tpu.memory_space<vmem>>, vector<1x1000x1024xf32>
    %swap3A_15 = vector.shape_cast %swap3A_14 : vector<1x1000x1024xf32> to vector<1000x1024xf32>
    %swap3A_16 = vector.shape_cast %add3A_11 : vector<1000x1024xf32> to vector<1x1000x1024xf32>
    tpu.vector_store %arg5[%swap3A, %swap3A_12, %swap3A_13], %swap3A_16 {strides = array<i32>} : memref<2x1000x1024xf32, #tpu.memory_space<vmem>>, vector<1x1000x1024xf32>,
    %get3A_17 = arith.constant 0 : index
    %get3A_18 = arith.constant 0 : index
    %get3A_19 = vector.load %arg2[%get3A_17, %get3A_18] : memref<1000x128xf32, #tpu.memory_space<vmem>>, vector<1000x128xf32>
    %get3A_20 = arith.constant 1 : index
    %get3A_21 = arith.constant 0 : index
    %get3A_22 = arith.constant 0 : index
    %get3A_23 = vector.load %arg1[%get3A_20, %get3A_21, %get3A_22] : memref<2x1024x128xf32, #tpu.memory_space<vmem>>, vector<1x1024x128xf32>
    %get3A_24 = vector.shape_cast %get3A_23 : vector<1x1024x128xf32> to vector<1024x128xf32>
    %dot_general3A_25 = arith.constant dense<0.000000e+00> : vector<1000x1024xf32>
    %dot_general3A_26 = tpu.matmul %get3A_19, %get3A_24, %dot_general3A_25 {dimension_numbers = #tpu.dot_dimension_numbers<[1], [1], [0], [0], [0, 0, 1, 0], [], []>, transpose_lhs_hint = false} : vector<1000x128xf32>, vector<1024x128xf32>, vector<1000x1024xf32> -> vector<1000x1024xf32>
    %get3A_27 = arith.constant 0 : index
    %get3A_28 = arith.constant 0 : index
    %get3A_29 = vector.load %arg3[%get3A_27, %get3A_28] : memref<1000x1xf32, #tpu.memory_space<vmem>>, vector<1000x1xf32>
    %add3A_30 = vector.broadcast %get3A_29 : vector<1000x1xf32> to vector<1000x1024xf32>
    %add3A_31 = arith.addf %dot_general3A_26, %add3A_30 : vector<1000x1024xf32>
    %swap3A_32 = arith.constant 1 : index
    %swap3A_33 = arith.constant 0 : index
    %swap3A_34 = arith.constant 0 : index
    %swap3A_35 = vector.load %arg5[%swap3A_32, %swap3A_33, %swap3A_34] : memref<2x1000x1024xf32, #tpu.memory_space<vmem>>, vector<1x1000x1024xf32>
    %swap3A_36 = vector.shape_cast %swap3A_35 : vector<1x1000x1024xf32> to vector<1000x1024xf32>
    %swap3A_37 = vector.shape_cast %add3A_31 : vector<1000x1024xf32> to vector<1x1000x1024xf32>
    tpu.vector_store %arg5[%swap3A_32, %swap3A_33, %swap3A_34], %swap3A_37 {strides = array<i32>} : memref<2x1000x1024xf32, #tpu.memory_space<vmem>>, vector<1x1000x1024xf32>,
    return
  }
  func.func @transform_0(%arg0: i32) -> (i32, i32, i32) {
    %c0_i32 = arith.constant 0 : i32
    %c0_i32_0 = arith.constant 0 : i32
    %c0_i32_1 = arith.constant 0 : i32
    return %arg0, %c0_i32, %c0_i32_0 : i32, i32, i32
  }
  func.func @transform_1(%arg0: i32) -> (i32, i32) {
    %c0_i32 = arith.constant 0 : i32
    %c0_i32_0 = arith.constant 0 : i32
    %c0_i32_1 = arith.constant 0 : i32
    return %c0_i32, %c0_i32_0 : i32, i32
  }
  func.func @transform_2(%arg0: i32) -> (i32, i32) {
    %c0_i32 = arith.constant 0 : i32
    %c0_i32_0 = arith.constant 0 : i32
    %c0_i32_1 = arith.constant 0 : i32
    return %c0_i32, %c0_i32_0 : i32, i32
  }
  func.func @transform_4(%arg0: i32) -> (i32, i32, i32) {
    %add3A = arith.constant 15 : i32
    %add3A_0 = arith.addi %add3A, %arg0 : i32
    %c0_i32 = arith.constant 0 : i32
    %c0_i32_1 = arith.constant 0 : i32
    %c0_i32_2 = arith.constant 0 : i32
    return %add3A_0, %c0_i32, %c0_i32_1 : i32, i32, i32
  }
}

</mosaic_0001>

<sc_bundles>
// kernel: kernel.5.cloned.1.call-start
scs
__scs_entry_jumppad:
0x0: {  	(pc) =	sbr.rel $0x88, $3  }
0x1: {  	(tag) =	ssettag $0x0;
	lr =	simm.s32 $0x1  }
0x2: {  	[smem:$0x3F9D] =	sst lr;
	_ =	strace $0xD0000000  }
0x3: {  	_ = 	snop  }
0x4: {  	_ = 	snop  }
0x5: {  	_ = 	snop  }
0x6: {  	_ = 	snop  }
0x7: {  	_ = 	snop  }
__scs_overlays_trampoline_lowered:
0x8: {  	[smem:$0x3FAC] =	sst s0  }
0x9: {  	[smem:$0x3FAD] =	sst s1  }
0xa: {  	[smem:$0x3FAE] =	sst s2  }
0xb: {  	[smem:$0x3FAF] =	sst s3  }
0xc: {  	[smem:$0x3FB0] =	sst s4  }
0xd: {  	[smem:$0x3FB1] =	sst s5  }
0xe: {  	[smem:$0x3FB2] =	sst s6  }
0xf: {  	[smem:$0x3FB3] =	sst s7  }
0x10: {  	[smem:$0x3FB4] =	sst s8  }
0x11: {  	[smem:$0x3FB5] =	sst s9;
	s0 =	simm.s32 @!p0 $0x0  }
0x12: {  	s1 =	sld [smem:$0x3F9B];
	s0 =	simm.s32 @p0 $0x1  }
0x13: {  	[smem:$0x3FB6] =	sst s0;
	s0 =	simm.s32 @!p1 $0x0  }
0x14: {  	s2 =	sld [smem:$0x3F9A];
	s0 =	simm.s32 @p1 $0x1  }
0x15: {  	[smem:$0x3FB7] =	sst s0;
	s0 =	simm.s32 @!p2 $0x0  }
0x16: {  	s3 =	sld [smem:$0x3FDB];
	s0 =	simm.s32 @p2 $0x1  }
0x17: {  	s4 =	simm.s32 $0x1BF5;
	[smem:$0x3FB9] =	sst s0  }
0x18: {  	s0 =	sld [smem:$0x3F9C];
	_ =	swait.ge [sflag:s4], $0x0  }
0x19: {  	s7 =	sld [smem:$0x3F9D]  }
0x1a: {  	s8 =	sadd.s32 $0xFFFFE003, lr  }
0x1b: {  	s9 =	sadd.s32 $0xFFFFFEF7, lr;
	s5 =	simm.s32 $0xFFFFFFFF;
	p2 =	slt.u32 s8, $0xFFFFF086  }
0x1c: {  	p1 =	slt.u32 s9, $0xF7A;
	s5 =	simm.s32 @!p2 $0x0  }
0x1d: {  	s5 =	simm.s32 @p1 $0x1;
	p0 =	seq.s32 s7, s2  }
0x1e: {  	s7 =	smul.u32 @!p0 $0xF7A, s2;
	p2 =	seq.s32 @!p0 s5, $0x0  }
0x1f: {  	s9 =	smul.u32 $0xF7A, s1;
	s8 =	simm.s32 @!p0 $0x1BF5;
	p2 =	por !p2, p0  }
0x20: {  	[sflag:s8] =	ssyncset.s32 @!p0 $0xFFFFF086;
	s6 =	sadd.s32 @!p0 s3, s7;
	s7 =	simm.s32 @!p0 $0x108  }
0x21: {  	s3 =	sadd.s32 s3, s9;
	s6 =	sadd.s32 @!p0 $0x88, s6;
	s7 =	simm.s32 @p2 $0x1082  }
0x22: {  	[simem:s7], [sflag:s8] =	dma.local @!p0 [hbm:s6], $0xF7A  }
0x23: {  	s9 =	sor.u32 $0xD0000000, s2;
	s6 =	simm.s32 $0x108;
	_ =	swait.ge @!p0 [sflag:s8], $0x0  }
0x24: {  	s3 =	sadd.s32 $0x88, s3;
	s6 =	simm.s32 @!p1 $0x1082;
	[sflag:s4] =	ssyncset.s32 $0xFFFFF086  }
0x25: {  	[simem:s6], [sflag:s4] =	dma.local [hbm:s3], $0xF7A  }
0x26: {  	[smem:$0x3F9D] =	sst s1;
	(tag) =	ssettag s2;
	_ =	strace s9  }
0x27: {  	s1 =	sld [smem:$0x3FAD]  }
0x28: {  	s2 =	sld [smem:$0x3FAE]  }
0x29: {  	s4 =	sld [smem:$0x3FB0]  }
0x2a: {  	p0 =	seq.s32 s5, $0x0;
	s5 =	sld [smem:$0x3FB1]  }
0x2b: {  	s6 =	sld [smem:$0x3FB2]  }
0x2c: {  	s7 =	sld [smem:$0x3FB3]  }
0x2d: {  	s3 =	simm.s32 $0x108;
	s8 =	sld [smem:$0x3FB4]  }
0x2e: {  	s3 =	simm.s32 @!p0 $0x1082;
	s9 =	sld [smem:$0x3FB5]  }
0x2f: {  	lr =	sadd.s32 s0, s3;
	s0 =	sld [smem:$0x3FAC]  }
0x30: {  	s3 =	sld [smem:$0x3FAF]  }
0x31: {  	[smem:$0x3FB8] =	sst s10  }
0x32: {  	s10 =	sld [smem:$0x3FB6];
	_ =	sdelay $0x3  }
0x33: {  	p0 =	seq.s32 s10, $0x1;
	s10 =	sld [smem:$0x3FB8];
	_ =	sdelay $0x3  }
0x34: {  	[smem:$0x3FB8] =	sst s10  }
0x35: {  	s10 =	sld [smem:$0x3FB7];
	_ =	sdelay $0x3  }
0x36: {  	p1 =	seq.s32 s10, $0x1;
	s10 =	sld [smem:$0x3FB8];
	_ =	sdelay $0x3  }
0x37: {  	[smem:$0x3FB8] =	sst s10  }
0x38: {  	s10 =	sld [smem:$0x3FB9]  }
0x39: {  	_ = 	snop;
	(pc) =	sbr.ind lr, $3  }
0x3a: {  	_ = 	snop  }
0x3b: {  	_ = 	snop  }
0x3c: {  	p2 =	seq.s32 s10, $0x1;
	s10 =	sld [smem:$0x3FB8]  }
0x3d: {  	_ =	shalt  }
0x3e: {  	_ =	shalt  }
0x3f: {  	_ =	shalt  }
0x40: {  	_ =	shalt  }
0x41: {  	_ =	shalt  }
0x42: {  	_ =	shalt  }
0x43: {  	_ =	shalt  }
0x44: {  	_ =	shalt  }
0x45: {  	_ =	shalt  }
0x46: {  	_ =	shalt  }
0x47: {  	_ =	shalt  }
0x48: {  	_ =	shalt  }
0x49: {  	_ =	shalt  }
0x4a: {  	_ =	shalt  }
0x4b: {  	_ =	shalt  }
0x4c: {  	_ =	shalt  }
0x4d: {  	_ =	shalt  }
0x4e: {  	_ =	shalt  }
0x4f: {  	_ =	shalt  }
0x50: {  	_ =	shalt  }
0x51: {  	_ =	shalt  }
0x52: {  	_ =	shalt  }
0x53: {  	_ =	shalt  }
0x54: {  	_ =	shalt  }
0x55: {  	_ =	shalt  }
0x56: {  	_ =	shalt  }
0x57: {  	_ =	shalt  }
0x58: {  	_ =	shalt  }
0x59: {  	_ =	shalt  }
0x5a: {  	_ =	shalt  }
0x5b: {  	_ =	shalt  }
0x5c: {  	_ =	shalt  }
0x5d: {  	_ =	shalt  }
0x5e: {  	_ =	shalt  }
0x5f: {  	_ =	shalt  }
0x60: {  	_ =	shalt  }
0x61: {  	_ =	shalt  }
0x62: {  	_ =	shalt  }
0x63: {  	_ =	shalt  }
0x64: {  	_ =	shalt  }
0x65: {  	_ =	shalt  }
0x66: {  	_ =	shalt  }
0x67: {  	_ =	shalt  }
0x68: {  	_ =	shalt  }
0x69: {  	_ =	shalt  }
0x6a: {  	_ =	shalt  }
0x6b: {  	_ =	shalt  }
0x6c: {  	_ =	shalt  }
0x6d: {  	_ =	shalt  }
0x6e: {  	_ =	shalt  }
0x6f: {  	_ =	shalt  }
0x70: {  	_ =	shalt  }
0x71: {  	_ =	shalt  }
0x72: {  	_ =	shalt  }
0x73: {  	_ =	shalt  }
0x74: {  	_ =	shalt  }
0x75: {  	_ =	shalt  }
0x76: {  	_ =	shalt  }
0x77: {  	_ =	shalt  }
0x78: {  	_ =	shalt  }
0x79: {  	_ =	shalt  }
0x7a: {  	_ =	shalt  }
0x7b: {  	_ =	shalt  }
0x7c: {  	_ =	shalt  }
0x7d: {  	_ =	shalt  }
0x7e: {  	_ =	shalt  }
0x7f: {  	_ =	shalt  }
0x80: {  	_ =	shalt  }
0x81: {  	_ =	shalt  }
0x82: {  	_ =	shalt  }
0x83: {  	_ =	shalt  }
0x84: {  	_ =	shalt  }
0x85: {  	_ =	shalt  }
0x86: {  	_ =	shalt  }
0x87: {  	_ =	shalt  }
.Lfunc_end0:
.L_simem_size_0:
called_computation_lowered:
.L_overlay_start_0:
0x88: {  	s2 =	sld [smem:$0x3FD9]  }
0x89: {  	s3 =	sld [smem:$0x3FFE];
	_ =	sdelay $0x1  }
0x8a: {  	s1 =	srdreg.scid  }
0x8b: {  	s0 =	sand.u32 $0x1, s1  }
0x8c: {  	s16 =	sshll.u32 s0, $0xA;
	s2 =	sadd.s32 s3, s2  }
0x8d: {  	s2 =	sadd.s32 s2, s16  }
0x8e: {  	[smem:$0x3FC4] =	sst s2  }
0x8f: {  	_ = 	snop  }
0x90: {  	(tm) =	ssettm $0x1  }
0x91: {  	s17 =	sld [smem:$0x3FFB];
	_ =	sdelay $0x3  }
0x92: {  	_ =	strace s17  }
0x93: {  	s2 =	sld [smem:$0x3FFC];
	_ =	sdelay $0x3  }
0x94: {  	_ =	strace s2  }
0x95: {  	s2 =	sld [smem:$0x3FFD];
	_ =	sdelay $0x3  }
0x96: {  	_ =	strace s2  }
0x97: {  	_ =	strace $0x8FFFFFFF  }
0x98: {  	s18 =	sld [smem:$0x3FDB];
	_ =	sdelay $0x1  }
0x99: {  	s19 =	simm.s32 $_scs_section_size  }
0x9a: {  	s4 =	simm.s32 $_size__tile_overlayer_lowered;
	s5 =	simm.s32 $_tile_overlayer_lowered  }
0x9b: {  	s22 =	simm.s32 $0x1BFF;
	s21 =	sshll.u32 s5, $0x1;
	s2 =	sadd.s32 s19, s18  }
0x9c: {  	s6 =	simm.s32 $0x0;
	s20 =	sshll.u32 s4, $0x1;
	s4 =	sadd.s32 s21, s2  }
0x9d: {  	[timem:s6], [sflag:s22] =	dma.local [hbm:s4], s20  }
0x9e: {  	_ =	swait.ge [sflag:s22], s20  }
0x9f: {  	s3 =	ssub.s32 $0x0, s20;
	[sflag:s22] =	ssyncset.done $0x0  }
0xa0: {  	[sflag:s22] =	ssyncadd.s32 s3;
	_ =	sdelay $0x1  }
0xa1: {  	s23 =	simm.s32 $0x1B8B  }
0xa2: {  	_ =	swait.ge [sflag:s23], $0x1  }
0xa3: {  	[sflag:s23] =	ssyncset.done $0x0  }
0xa4: {  	s25 =	simm.s32 $0x1B8E;
	s24 =	sld [smem:$0x3FFE];
	[sflag:s23] =	ssyncadd.s32 $0xFFFFFFFF  }
0xa5: {  	s26 =	simm.s32 $execute0_lowered;
	[smem:$0x3FD2] =	sst s25  }
0xa6: {  	s4 =	sshll.u32 s26, $0x1;
	_ =	strace $0x80000046;
	[dreg:$0x1] =	wrdreg $0xFFFFFFFF  }
0xa7: {  	s28 =	simm.s32 $_size_execute0_lowered;
	s2 =	sadd.s32 s2, s4;
	[dreg:$0x0] =	wrdreg $0x0  }
0xa8: {  	s4 =	sshll.u32 s28, $0x1;
	[dreg:$0x2] =	wrdreg s2  }
0xa9: {  	[dreg:$0x3] =	wrdreg s4  }
0xaa: {  	[dreg:$0x4] =	wrdreg $0xC0  }
0xab: {  	_ =	task [dreg:s6], $0x5FFFF  }
0xac: {  	[dreg:$0x1] =	wrdreg $0xFFFFFFFF  }
0xad: {  	[dreg:$0x0] =	wrdreg $0x60  }
0xae: {  	[dreg:$0x2] =	wrdreg s24  }
0xaf: {  	[dreg:$0x3] =	wrdreg $0x0  }
0xb0: {  	[dreg:$0x4] =	wrdreg $0x9  }
0xb1: {  	_ =	task.clear_ibuf [dreg:s6], $0x5FFFF;
	_ =	strace $0x90000046  }
0xb2: {  	s29 =	simm.s32 $0x9;
	_ =	strace $0x80000048  }
0xb3: {  	_ =	swait.ge [sflag:s29], $0x1  }
0xb4: {  	[sflag:s29] =	ssyncadd.s32 $0xFFFFFFFF  }
0xb5: {  	_ =	strace $0x90000048  }
0xb6: {  	_ =	sfence  }
0xb7: {  	s30 =	sld [smem:$0x0];
	_ =	sdelay $0x2  }
0xb8: {  	s31 =	sshll.u32 s1, $0xD;
	s1 =	sshrl.u32 s1, $0x2  }
0xb9: {  	s3 =	sand.u32 $0x4000, s31;
	s1 =	sadd.s32 s1, s30  }
0xba: {  	s0 =	sor.u32 s3, s0;
	s1 =	sshll.u32 s1, $0x11  }
0xbb: {  	s0 =	sor.u32 s1, s0  }
0xbc: {  	s0 =	sadd.s32 $0x8F2B, s0  }
0xbd: {  	[sflag:s0] =	ssyncadd.remote.s32 $0x1  }
0xbe: {  	_ =	sfence.sel $0xFFFF  }
0xbf: {  	[dreg:$0x0] =	wrdreg $0xFFFFFFFF;
	(pc) =	sbr.abs _section_cstart, $3  }
0xc0: {  	[dreg:$0x1] =	wrdreg $0xFFFFFFFF  }
0xc1: {  	_ =	task.clear_ibuf [dreg:s6], $0x2FFFF;
	_ =	strace $0x9FFFFFFF  }
0xc2: {  	(tm) =	ssettm $0x7FFFFFFF  }
0xc3: {  	_ =	shalt  }
tec
execute0_lowered:
.L_overlay_start_1:
0x0: {  	(tag) =	ssettag $0x1  }
0x1: {  	s0 =	srdreg.scid;
	s4 =	stileid.u32  }
0x2: {  	s31 =	sand.u32 $0x1, s0;
	s21 =	sshll.u32 s4, $0x1  }
0x3: {  	s3 =	rddreg [dreg:$0x0];
	s5 =	sor.u32 s31, s21  }
0x4: {  	s1 =	rddreg [dreg:$0x1];
	s2 =	simm.s32 $0x0;
	s6 =	smul.u32 $0x50, s5  }
0x5: {  	[smem:$0x7FF] =	sst s2;
	s8 =	sadd.s32 $0xE00, s3;
	s7 =	smul.u32 $0x2800, s5  }
0x6: {  	s22 =	sadd.s32 $0x4E00, s3;
	_ =	strace $0x80000047;
	s5 =	smul.u32 $0x14000, s5  }
0x7: {  	[dreg:$0x3] =	wrdreg s8;
	s6 =	sadd.s32 s6, s3;
	s3 =	sadd.s32 s22, s7  }
0x8: {  	s5 =	sshrl.u32 s5, $0x3;
	s7 =	rddreg [dreg:$0x3];
	s6 =	sadd.s32 $0x400, s6  }
0x9: {  	s23 =	sadd.s32 $0x400, s3;
	s25 =	sadd.s32 s22, s5;
	[dreg:$0x4] =	wrdreg s6  }
0xa: {  	[dreg:$0x5] =	wrdreg s23;
	s5 =	sadd.s32 $0x2000, s25  }
0xb: {  	p0 =	sne.s32 s4, $0x0;
	s24 =	sadd.s32 $0x2400, s25;
	[dreg:$0x6] =	wrdreg s5  }
0xc: {  	s4 =	sshrl.u32 @!p0 s1, $0x3;
	s26 =	sadd.s32 $0x800, s25;
	[dreg:$0x7] =	wrdreg s24  }
0xd: {  	s6 =	simm.s32 @!p0 $0x5;
	[dreg:$0x8] =	wrdreg s26;
	s5 =	simm.s32 @!p0 $0x1C05  }
0xe: {  	[spmem:s4], [sflag:s5] =	dma.local @!p0 [hbm:s7], $0x3E80  }
0xf: {  	_ =	swait.ge @!p0 [sflag:s6], $0x3E80  }
0x10: {  	s8 =	simm.s32 $0x5;
	[sflag:s6] =	ssyncset.done @!p0 $0x0  }
0x11: {  	s7 =	simm.s32 $0x1F40;
	s9 =	rddreg [dreg:$0x4];
	[sflag:s6] =	ssyncadd.s32 @!p0 $0xFFFFC180  }
0x12: {  	[tilespmem:s7], [sflag:$0x5] =	stream.linear.gather [hbm4b:s9+s2], $0x280, $0x38;
	[tilespmem:$0x61C0] =	vst v63  }
0x13: {  	_ =	swait.ge [sflag:s8], $0x280  }
0x14: {  	[sflag:s8] =	ssyncset.done $0x0  }
0x15: {  	s10 =	simm.s32 $0x21C0;
	[sflag:s8] =	ssyncadd.s32 $0xFFFFFD80  }
0x16: {  	s11 =	simm.s32 $0x1;
	s9 =	simm.s32 $0x40;
	[bflag:$0x0] =	sbarrier.arrive $0xFFFF  }
0x17: {  	[tilespmem:s10], [sflag:$0x1] =	stream.indirect.gather [spmem:s1], $0x80, s7, s9, $0xb8;
	[tilespmem:$0x61C0] =	vst v63  }
0x18: {  	_ =	swait.ge [sflag:s11], $0x2000  }
0x19: {  	[sflag:s11] =	ssyncset.done $0x0  }
0x1a: {  	[sflag:s11] =	ssyncadd.s32 $0xFFFFE000  }
0x1b: {  	[hbm4b:s3+s2] =	stream.linear.scatter [tilespmem:s10], [sflag:$0x3], $0x2000, $0x38;
	[tilespmem:$0x61C0] =	vst v63  }
0x1c: {  	s12 =	simm.s32 $0x1F80;
	s13 =	simm.s32 $0x41C0;
	s14 =	simm.s32 $0x2  }
0x1d: {  	[tilespmem:s13], [sflag:$0x2] =	stream.indirect.gather [spmem:s1], $0x80, s12, s9, $0xb8;
	[tilespmem:$0x61C0] =	vst v63  }
0x1e: {  	_ =	swait.ge [sflag:s14], $0x2000  }
0x1f: {  	[sflag:s14] =	ssyncset.done $0x0  }
0x20: {  	s15 =	simm.s32 $0x3;
	s16 =	rddreg [dreg:$0x5];
	[sflag:s14] =	ssyncadd.s32 $0xFFFFE000  }
0x21: {  	[hbm4b:s16+s2] =	stream.linear.scatter [tilespmem:s13], [sflag:$0x4], $0x2000, $0x38;
	[tilespmem:$0x61C0] =	vst v63  }
0x22: {  	_ =	swait.ge [sflag:s15], $0x2000  }
0x23: {  	[sflag:s15] =	ssyncset.done $0x0  }
0x24: {  	s16 =	simm.s32 $0x1FC0;
	[sflag:s15] =	ssyncadd.s32 $0xFFFFE000  }
0x25: {  	[tilespmem:s10], [sflag:$0x1] =	stream.indirect.gather [spmem:s1], $0x80, s16, s9, $0xb8;
	[tilespmem:$0x61C0] =	vst v63  }
0x26: {  	_ =	swait.ge [sflag:s11], $0x2000  }
0x27: {  	[sflag:s11] =	ssyncset.done $0x0  }
0x28: {  	s17 =	simm.s32 $0x4;
	s18 =	rddreg [dreg:$0x8];
	[sflag:s11] =	ssyncadd.s32 $0xFFFFE000  }
0x29: {  	[hbm4b:s18+s2] =	stream.linear.scatter [tilespmem:s10], [sflag:$0x3], $0x2000, $0x38;
	[tilespmem:$0x61C0] =	vst v63  }
0x2a: {  	_ =	swait.ge [sflag:s17], $0x2000  }
0x2b: {  	[sflag:s17] =	ssyncset.done $0x0  }
0x2c: {  	s18 =	simm.s32 $0x2000;
	[sflag:s17] =	ssyncadd.s32 $0xFFFFE000  }
0x2d: {  	[tilespmem:s13], [sflag:$0x2] =	stream.indirect.gather [spmem:s1], $0x80, s18, s9, $0xb8;
	[tilespmem:$0x61C0] =	vst v63  }
0x2e: {  	_ =	swait.ge [sflag:s14], $0x2000  }
0x2f: {  	[sflag:s14] =	ssyncset.done $0x0  }
0x30: {  	s19 =	sadd.s32 $0xC00, s3;
	[sflag:s14] =	ssyncadd.s32 $0xFFFFE000  }
0x31: {  	[hbm4b:s19+s2] =	stream.linear.scatter [tilespmem:s13], [sflag:$0x4], $0x2000, $0x38;
	[tilespmem:$0x61C0] =	vst v63  }
0x32: {  	_ =	swait.ge [sflag:s15], $0x2000  }
0x33: {  	[sflag:s15] =	ssyncset.done $0x0  }
0x34: {  	s20 =	simm.s32 $0x2040;
	[sflag:s15] =	ssyncadd.s32 $0xFFFFE000  }
0x35: {  	[tilespmem:s10], [sflag:$0x1] =	stream.indirect.gather [spmem:s1], $0x80, s20, s9, $0xb8;
	[tilespmem:$0x61C0] =	vst v63  }
0x36: {  	_ =	swait.ge [sflag:s11], $0x2000  }
0x37: {  	[sflag:s11] =	ssyncset.done $0x0  }
0x38: {  	s21 =	sadd.s32 $0x1000, s25;
	[sflag:s11] =	ssyncadd.s32 $0xFFFFE000  }
0x39: {  	[hbm4b:s21+s2] =	stream.linear.scatter [tilespmem:s10], [sflag:$0x3], $0x2000, $0x38;
	[tilespmem:$0x61C0] =	vst v63  }
0x3a: {  	_ =	swait.ge [sflag:s17], $0x2000  }
0x3b: {  	[sflag:s17] =	ssyncset.done $0x0  }
0x3c: {  	s22 =	simm.s32 $0x2080;
	[sflag:s17] =	ssyncadd.s32 $0xFFFFE000  }
0x3d: {  	[tilespmem:s13], [sflag:$0x2] =	stream.indirect.gather [spmem:s1], $0x80, s22, s9, $0xb8;
	[tilespmem:$0x61C0] =	vst v63  }
0x3e: {  	_ =	swait.ge [sflag:s14], $0x2000  }
0x3f: {  	[sflag:s14] =	ssyncset.done $0x0  }
0x40: {  	s23 =	sadd.s32 $0x1400, s3;
	[sflag:s14] =	ssyncadd.s32 $0xFFFFE000  }
0x41: {  	[hbm4b:s23+s2] =	stream.linear.scatter [tilespmem:s13], [sflag:$0x4], $0x2000, $0x38;
	[tilespmem:$0x61C0] =	vst v63  }
0x42: {  	_ =	swait.ge [sflag:s15], $0x2000  }
0x43: {  	[sflag:s15] =	ssyncset.done $0x0  }
0x44: {  	s24 =	simm.s32 $0x20C0;
	[sflag:s15] =	ssyncadd.s32 $0xFFFFE000  }
0x45: {  	[tilespmem:s10], [sflag:$0x1] =	stream.indirect.gather [spmem:s1], $0x80, s24, s9, $0xb8;
	[tilespmem:$0x61C0] =	vst v63  }
0x46: {  	_ =	swait.ge [sflag:s11], $0x2000  }
0x47: {  	[sflag:s11] =	ssyncset.done $0x0  }
0x48: {  	s25 =	sadd.s32 $0x1800, s25;
	[sflag:s11] =	ssyncadd.s32 $0xFFFFE000  }
0x49: {  	[hbm4b:s25+s2] =	stream.linear.scatter [tilespmem:s10], [sflag:$0x3], $0x2000, $0x38;
	[tilespmem:$0x61C0] =	vst v63  }
0x4a: {  	_ =	swait.ge [sflag:s17], $0x2000  }
0x4b: {  	[sflag:s17] =	ssyncset.done $0x0  }
0x4c: {  	s26 =	simm.s32 $0x2100;
	[sflag:s17] =	ssyncadd.s32 $0xFFFFE000  }
0x4d: {  	[tilespmem:s13], [sflag:$0x2] =	stream.indirect.gather [spmem:s1], $0x80, s26, s9, $0xb8;
	[tilespmem:$0x61C0] =	vst v63  }
0x4e: {  	_ =	swait.ge [sflag:s14], $0x2000  }
0x4f: {  	[sflag:s14] =	ssyncset.done $0x0  }
0x50: {  	s28 =	sadd.s32 $0x1C00, s3;
	[sflag:s14] =	ssyncadd.s32 $0xFFFFE000  }
0x51: {  	[hbm4b:s28+s2] =	stream.linear.scatter [tilespmem:s13], [sflag:$0x4], $0x2000, $0x38;
	[tilespmem:$0x61C0] =	vst v63  }
0x52: {  	_ =	swait.ge [sflag:s15], $0x2000  }
0x53: {  	[sflag:s15] =	ssyncset.done $0x0  }
0x54: {  	s29 =	simm.s32 $0x2140;
	[sflag:s15] =	ssyncadd.s32 $0xFFFFE000  }
0x55: {  	[tilespmem:s10], [sflag:$0x1] =	stream.indirect.gather [spmem:s1], $0x80, s29, s9, $0xb8;
	[tilespmem:$0x61C0] =	vst v63  }
0x56: {  	_ =	swait.ge [sflag:s11], $0x2000  }
0x57: {  	[sflag:s11] =	ssyncset.done $0x0  }
0x58: {  	s30 =	rddreg [dreg:$0x6];
	[sflag:s11] =	ssyncadd.s32 $0xFFFFE000  }
0x59: {  	[hbm4b:s30+s2] =	stream.linear.scatter [tilespmem:s10], [sflag:$0x3], $0x2000, $0x38;
	[tilespmem:$0x61C0] =	vst v63  }
0x5a: {  	_ =	swait.ge [sflag:s17], $0x2000  }
0x5b: {  	[sflag:s17] =	ssyncset.done $0x0  }
0x5c: {  	s30 =	simm.s32 $0x2180;
	[sflag:s17] =	ssyncadd.s32 $0xFFFFE000  }
0x5d: {  	[tilespmem:s13], [sflag:$0x2] =	stream.indirect.gather [spmem:s1], $0x80, s30, s9, $0xb8;
	[tilespmem:$0x61C0] =	vst v63  }
0x5e: {  	_ =	swait.ge [sflag:s14], $0x2000  }
0x5f: {  	[sflag:s14] =	ssyncset.done $0x0  }
0x60: {  	s0 =	rddreg [dreg:$0x7];
	[sflag:s14] =	ssyncadd.s32 $0xFFFFE000  }
0x61: {  	[hbm4b:s0+s2] =	stream.linear.scatter [tilespmem:s13], [sflag:$0x4], $0x2000, $0x38;
	[tilespmem:$0x61C0] =	vst v63  }
0x62: {  	s0 =	ssub.s32 $0x2, s31  }
0x63: {  	s31 =	sshrl.u32 s0, $0x1  }
0x64: {  	s0 =	ssub.s32 s0, s31  }
0x65: {  	s0 =	smax.u32 s0, $0x1  }
0x66: {  	s31 =	sadd.s32 $0xFFFFFFFF, s0  }
0x67: {  	p1 =	sne.s32 s31, $0x0  }
.Ltmp0:
0x68: {  	_ =	swait.ge [sflag:s15], $0x2000;
	(pc) =	sbr.rel @!p1 .LBB2_2-.Ltmp0, $4  }
0x69: {  	[sflag:s15] =	ssyncset.done $0x0  }
0x6a: {  	[sflag:s15] =	ssyncadd.s32 $0xFFFFE000  }
0x6b: {  	_ =	swait.ge [sflag:s17], $0x2000  }
0x6c: {  	[sflag:s17] =	ssyncset.done $0x0  }
.LBB2_1:
0x6d: {  	s0 =	rddreg [dreg:$0x3];
	[sflag:s17] =	ssyncadd.s32 $0xFFFFE000  }
0x6e: {  	[spmem:s4], [sflag:s5] =	dma.local @!p0 [hbm:s0], $0x3E80  }
0x6f: {  	_ =	swait.ge @!p0 [sflag:s6], $0x3E80  }
0x70: {  	[sflag:s6] =	ssyncset.done @!p0 $0x0  }
0x71: {  	s0 =	rddreg [dreg:$0x4];
	[sflag:s6] =	ssyncadd.s32 @!p0 $0xFFFFC180  }
0x72: {  	[tilespmem:s7], [sflag:$0x5] =	stream.linear.gather [hbm4b:s0+s2], $0x280, $0x38;
	[tilespmem:$0x61C0] =	vst v63  }
0x73: {  	_ =	swait.ge [sflag:s8], $0x280  }
0x74: {  	[sflag:s8] =	ssyncset.done $0x0  }
0x75: {  	[sflag:s8] =	ssyncadd.s32 $0xFFFFFD80  }
0x76: {  	[bflag:$0x0] =	sbarrier.arrive $0xFFFF  }
0x77: {  	[tilespmem:s10], [sflag:$0x1] =	stream.indirect.gather [spmem:s1], $0x80, s7, s9, $0xb8;
	[tilespmem:$0x61C0] =	vst v63  }
0x78: {  	_ =	swait.ge [sflag:s11], $0x2000  }
0x79: {  	[sflag:s11] =	ssyncset.done $0x0  }
0x7a: {  	[sflag:s11] =	ssyncadd.s32 $0xFFFFE000  }
0x7b: {  	[hbm4b:s3+s2] =	stream.linear.scatter [tilespmem:s10], [sflag:$0x3], $0x2000, $0x38;
	[tilespmem:$0x61C0] =	vst v63  }
0x7c: {  	_ = 	snop  }
0x7d: {  	[tilespmem:s13], [sflag:$0x2] =	stream.indirect.gather [spmem:s1], $0x80, s12, s9, $0xb8;
	[tilespmem:$0x61C0] =	vst v63  }
0x7e: {  	_ =	swait.ge [sflag:s14], $0x2000  }
0x7f: {  	[sflag:s14] =	ssyncset.done $0x0  }
0x80: {  	s0 =	rddreg [dreg:$0x5];
	[sflag:s14] =	ssyncadd.s32 $0xFFFFE000  }
0x81: {  	[hbm4b:s0+s2] =	stream.linear.scatter [tilespmem:s13], [sflag:$0x4], $0x2000, $0x38;
	[tilespmem:$0x61C0] =	vst v63  }
0x82: {  	_ =	swait.ge [sflag:s15], $0x2000  }
0x83: {  	[sflag:s15] =	ssyncset.done $0x0  }
0x84: {  	[sflag:s15] =	ssyncadd.s32 $0xFFFFE000  }
0x85: {  	[tilespmem:s10], [sflag:$0x1] =	stream.indirect.gather [spmem:s1], $0x80, s16, s9, $0xb8;
	[tilespmem:$0x61C0] =	vst v63  }
0x86: {  	_ =	swait.ge [sflag:s11], $0x2000  }
0x87: {  	[sflag:s11] =	ssyncset.done $0x0  }
0x88: {  	s0 =	rddreg [dreg:$0x8];
	[sflag:s11] =	ssyncadd.s32 $0xFFFFE000  }
0x89: {  	[hbm4b:s0+s2] =	stream.linear.scatter [tilespmem:s10], [sflag:$0x3], $0x2000, $0x38;
	[tilespmem:$0x61C0] =	vst v63  }
0x8a: {  	_ =	swait.ge [sflag:s17], $0x2000  }
0x8b: {  	[sflag:s17] =	ssyncset.done $0x0  }
0x8c: {  	[sflag:s17] =	ssyncadd.s32 $0xFFFFE000  }
0x8d: {  	[tilespmem:s13], [sflag:$0x2] =	stream.indirect.gather [spmem:s1], $0x80, s18, s9, $0xb8;
	[tilespmem:$0x61C0] =	vst v63  }
0x8e: {  	_ =	swait.ge [sflag:s14], $0x2000  }
0x8f: {  	[sflag:s14] =	ssyncset.done $0x0  }
0x90: {  	[sflag:s14] =	ssyncadd.s32 $0xFFFFE000  }
0x91: {  	[hbm4b:s19+s2] =	stream.linear.scatter [tilespmem:s13], [sflag:$0x4], $0x2000, $0x38;
	[tilespmem:$0x61C0] =	vst v63  }
0x92: {  	_ =	swait.ge [sflag:s15], $0x2000  }
0x93: {  	[sflag:s15] =	ssyncset.done $0x0  }
0x94: {  	[sflag:s15] =	ssyncadd.s32 $0xFFFFE000  }
0x95: {  	[tilespmem:s10], [sflag:$0x1] =	stream.indirect.gather [spmem:s1], $0x80, s20, s9, $0xb8;
	[tilespmem:$0x61C0] =	vst v63  }
0x96: {  	_ =	swait.ge [sflag:s11], $0x2000  }
0x97: {  	[sflag:s11] =	ssyncset.done $0x0  }
0x98: {  	[sflag:s11] =	ssyncadd.s32 $0xFFFFE000  }
0x99: {  	[hbm4b:s21+s2] =	stream.linear.scatter [tilespmem:s10], [sflag:$0x3], $0x2000, $0x38;
	[tilespmem:$0x61C0] =	vst v63  }
0x9a: {  	_ =	swait.ge [sflag:s17], $0x2000  }
0x9b: {  	[sflag:s17] =	ssyncset.done $0x0  }
0x9c: {  	[sflag:s17] =	ssyncadd.s32 $0xFFFFE000  }
0x9d: {  	[tilespmem:s13], [sflag:$0x2] =	stream.indirect.gather [spmem:s1], $0x80, s22, s9, $0xb8;
	[tilespmem:$0x61C0] =	vst v63  }
0x9e: {  	_ =	swait.ge [sflag:s14], $0x2000  }
0x9f: {  	[sflag:s14] =	ssyncset.done $0x0  }
0xa0: {  	[sflag:s14] =	ssyncadd.s32 $0xFFFFE000  }
0xa1: {  	[hbm4b:s23+s2] =	stream.linear.scatter [tilespmem:s13], [sflag:$0x4], $0x2000, $0x38;
	[tilespmem:$0x61C0] =	vst v63  }
0xa2: {  	_ =	swait.ge [sflag:s15], $0x2000  }
0xa3: {  	[sflag:s15] =	ssyncset.done $0x0  }
0xa4: {  	[sflag:s15] =	ssyncadd.s32 $0xFFFFE000  }
0xa5: {  	[tilespmem:s10], [sflag:$0x1] =	stream.indirect.gather [spmem:s1], $0x80, s24, s9, $0xb8;
	[tilespmem:$0x61C0] =	vst v63  }
0xa6: {  	_ =	swait.ge [sflag:s11], $0x2000  }
0xa7: {  	[sflag:s11] =	ssyncset.done $0x0  }
0xa8: {  	[sflag:s11] =	ssyncadd.s32 $0xFFFFE000  }
0xa9: {  	[hbm4b:s25+s2] =	stream.linear.scatter [tilespmem:s10], [sflag:$0x3], $0x2000, $0x38;
	[tilespmem:$0x61C0] =	vst v63  }
0xaa: {  	_ =	swait.ge [sflag:s17], $0x2000  }
0xab: {  	[sflag:s17] =	ssyncset.done $0x0  }
0xac: {  	[sflag:s17] =	ssyncadd.s32 $0xFFFFE000  }
0xad: {  	[tilespmem:s13], [sflag:$0x2] =	stream.indirect.gather [spmem:s1], $0x80, s26, s9, $0xb8;
	[tilespmem:$0x61C0] =	vst v63  }
0xae: {  	_ =	swait.ge [sflag:s14], $0x2000  }
0xaf: {  	[sflag:s14] =	ssyncset.done $0x0  }
0xb0: {  	[sflag:s14] =	ssyncadd.s32 $0xFFFFE000  }
0xb1: {  	[hbm4b:s28+s2] =	stream.linear.scatter [tilespmem:s13], [sflag:$0x4], $0x2000, $0x38;
	[tilespmem:$0x61C0] =	vst v63  }
0xb2: {  	_ =	swait.ge [sflag:s15], $0x2000  }
0xb3: {  	[sflag:s15] =	ssyncset.done $0x0  }
0xb4: {  	[sflag:s15] =	ssyncadd.s32 $0xFFFFE000  }
0xb5: {  	[tilespmem:s10], [sflag:$0x1] =	stream.indirect.gather [spmem:s1], $0x80, s29, s9, $0xb8;
	[tilespmem:$0x61C0] =	vst v63  }
0xb6: {  	_ =	swait.ge [sflag:s11], $0x2000  }
0xb7: {  	[sflag:s11] =	ssyncset.done $0x0  }
0xb8: {  	s0 =	rddreg [dreg:$0x6];
	[sflag:s11] =	ssyncadd.s32 $0xFFFFE000  }
0xb9: {  	[hbm4b:s0+s2] =	stream.linear.scatter [tilespmem:s10], [sflag:$0x3], $0x2000, $0x38;
	[tilespmem:$0x61C0] =	vst v63  }
0xba: {  	_ =	swait.ge [sflag:s17], $0x2000  }
0xbb: {  	[sflag:s17] =	ssyncset.done $0x0  }
0xbc: {  	[sflag:s17] =	ssyncadd.s32 $0xFFFFE000  }
0xbd: {  	[tilespmem:s13], [sflag:$0x2] =	stream.indirect.gather [spmem:s1], $0x80, s30, s9, $0xb8;
	[tilespmem:$0x61C0] =	vst v63  }
0xbe: {  	_ =	swait.ge [sflag:s14], $0x2000  }
0xbf: {  	s31 =	sadd.s32 $0xFFFFFFFF, s31;
	[sflag:s14] =	ssyncset.done $0x0  }
0xc0: {  	p1 =	sne.s32 s31, $0x0;
	s0 =	rddreg [dreg:$0x7];
	[sflag:s14] =	ssyncadd.s32 $0xFFFFE000  }
0xc1: {  	[hbm4b:s0+s2] =	stream.linear.scatter [tilespmem:s13], [sflag:$0x4], $0x2000, $0x38;
	[tilespmem:$0x61C0] =	vst v63  }
.Ltmp1:
0xc2: {  	_ =	swait.ge [sflag:s15], $0x2000;
	(pc) =	sbr.rel @p1 .LBB2_1-.Ltmp1, $4  }
0xc3: {  	[sflag:s15] =	ssyncset.done $0x0  }
0xc4: {  	[sflag:s15] =	ssyncadd.s32 $0xFFFFE000  }
0xc5: {  	_ =	swait.ge [sflag:s17], $0x2000  }
0xc6: {  	[sflag:s17] =	ssyncset.done $0x0  }
.LBB2_2:
0xc7: {  	[sflag:s17] =	ssyncadd.s32 $0xFFFFE000  }
0xc8: {  	_ =	sfence.sel $0x180000  }
0xc9: {  	[bflag:$0x0] =	sbarrier.arrive $0xFFFF  }
0xca: {  	_ =	strace $0x90000047  }
0xcb: {  	[bflag:$0x2] =	sbarrier.arrive $0xFFFF  }
0xcc: {  	s0 =	rddreg [dreg:$0x2]  }
0xcd: {  	s0 =	sadd.s32 @!p0 $0x100000, s0  }
0xce: {  	[sflag:s0] =	ssyncadd.tile.s32 @!p0 $0x1;
	_ =	shalt  }
.Lfunc_end2:
_tile_overlayer_lowered:
.L_overlay_start_2:
0xcf: {  	(tag) =	ssettag $0x2  }
0xd0: {  	s0 =	rddreg [dreg:$0x0];
	s2 =	stileid.u32  }
0xd1: {  	s1 =	rddreg [dreg:$0x1];
	p0 =	sne.s32 s2, $0x0  }
0xd2: {  	s3 =	rddreg [dreg:$0x2];
	[bflag:$0x3] =	sbarrier.arrive $0xFFFF;
	s2 =	simm.s32 @!p0 $0x1C05  }
0xd3: {  	[timem:s3], [sflag:s2] =	dma.local @!p0 [hbm:s0], s1  }
0xd4: {  	s0 =	simm.s32 @!p0 $0x5  }
0xd5: {  	_ =	swait.ge @!p0 [sflag:s0], s1  }
0xd6: {  	s1 =	ssub.s32 @!p0 $0x0, s1;
	[sflag:s0] =	ssyncset.done @!p0 $0x0  }
0xd7: {  	[sflag:s0] =	ssyncadd.s32 @!p0 s1  }
0xd8: {  	[bflag:$0x3] =	sbarrier.arrive $0xFFFF  }
0xd9: {  	_ =	shalt  }

</sc_bundles>
